<compile_context>
chip_gen: v7x
topology: tpu7x:2x2x1
jax: 0.10.2.dev20260603
libtpu: 0.0.44.dev20260713+nightly
codegen_flags: <defaults>
</compile_context>

<pallas_src>
import jax
import jax.numpy as jnp
from jax import lax
from jax.experimental import pallas as pl
from jax.experimental.pallas import tpu as pltpu
from jax.experimental.pallas import tpu_sc as plsc

_TOKENS = 32768
_EXPERTS = 64
_NW = 32
_TPW = _TOKENS // _NW
_BT = 8192
_NB = _TOKENS // _BT
_CHUNK = 256


def _tc_psum(x_ref, psum_ref):
    x = x_ref[...]
    mx = jnp.max(x, axis=1, keepdims=True)
    e = jnp.exp(x - mx)
    s = jnp.sum(e, axis=1, keepdims=True)
    p = e / s
    psum_ref[...] = jnp.sum(p, axis=0).reshape(1, 1, _EXPERTS)


def _sc_body(x_hbm, out_hbm, xa_v, xb_v, part_v, sem_a, sem_b):
    nc = 2
    wid = lax.axis_index("s") * nc + lax.axis_index("c")
    base = wid * _TPW

    ia = jnp.arange(16, dtype=jnp.int32)
    lt8 = ia < 8
    idx_t8 = jnp.full((16,), 8, dtype=jnp.int32)
    one = jnp.ones((16,), dtype=jnp.float32)
    zero = jnp.zeros((16,), dtype=jnp.float32)
    neg = jnp.full((16,), -jnp.inf, dtype=jnp.float32)

    def _sortd(v):
        return plsc.sort_key_val(v, v, descending=True)[0]

    acc = (neg, neg, neg, neg)
    bufs = ((xa_v, sem_a), (xb_v, sem_b))
    pending = [
        pltpu.async_copy(x_hbm.at[pl.ds(base, _CHUNK)], xa_v, sem_a),
        pltpu.async_copy(x_hbm.at[pl.ds(base + _CHUNK, _CHUNK)], xb_v, sem_b),
    ]
    nchunks = _TPW // _CHUNK
    for c in range(nchunks):
        x_v, sem = bufs[c % 2]
        pending[c % 2].wait()

        @plsc.parallel_loop(0, _CHUNK, unroll=4, carry=acc)
        def body(t, carry):
            m0, m1, m2, m3 = carry
            v0 = x_v[t, pl.ds(0, 16)]
            v1 = x_v[t, pl.ds(16, 16)]
            v2 = x_v[t, pl.ds(32, 16)]
            v3 = x_v[t, pl.ds(48, 16)]
            c01 = jnp.where(lt8, _sortd(v0), jnp.sort(v1))
            c23 = jnp.where(lt8, _sortd(v2), jnp.sort(v3))
            cf = jnp.where(lt8, _sortd(c01), jnp.sort(c23))
            sf = jnp.sort(cf)
            t8 = sf.at[idx_t8].get(mode="promise_in_bounds")
            m0 = jnp.maximum(m0, v0 - t8)
            m1 = jnp.maximum(m1, v1 - t8)
            m2 = jnp.maximum(m2, v2 - t8)
            m3 = jnp.maximum(m3, v3 - t8)
            return m0, m1, m2, m3

        acc = body
        if c + 2 < nchunks:
            pending[c % 2] = pltpu.async_copy(
                x_hbm.at[pl.ds(base + (c + 2) * _CHUNK, _CHUNK)], x_v, sem
            )

    m0, m1, m2, m3 = acc
    part_v[pl.ds(0, 16)] = jnp.where(m0 >= 0.0, one, zero)
    part_v[pl.ds(16, 16)] = jnp.where(m1 >= 0.0, one, zero)
    part_v[pl.ds(32, 16)] = jnp.where(m2 >= 0.0, one, zero)
    part_v[pl.ds(48, 16)] = jnp.where(m3 >= 0.0, one, zero)
    pltpu.sync_copy(part_v, out_hbm.at[wid])


def _tc_final(psum_ref, mask_ref, out_ref):
    psum = jnp.sum(psum_ref[...], axis=(0, 1))
    mask = jnp.max(mask_ref[...], axis=0)
    t = jnp.sum(psum) * jnp.float32(1.0 / _TOKENS)
    msum = jnp.sum(mask)
    out_ref[...] = jnp.full((1, 1), msum * t, jnp.float32)


def kernel(gate_logits):
    mesh = plsc.VectorSubcoreMesh(core_axis_name="c", subcore_axis_name="s")
    sc = pl.kernel(
        _sc_body,
        mesh=mesh,
        out_type=jax.ShapeDtypeStruct((_NW, _EXPERTS), jnp.float32),
        scratch_types=[
            pltpu.VMEM((_CHUNK, _EXPERTS), jnp.float32),
            pltpu.VMEM((_CHUNK, _EXPERTS), jnp.float32),
            pltpu.VMEM((_EXPERTS,), jnp.float32),
            pltpu.SemaphoreType.DMA,
            pltpu.SemaphoreType.DMA,
        ],
        compiler_params=pltpu.CompilerParams(needs_layout_passes=False),
    )
    masks = sc(gate_logits)

    psums = pl.pallas_call(
        _tc_psum,
        grid=(_NB,),
        in_specs=[pl.BlockSpec((_BT, _EXPERTS), lambda i: (i, 0))],
        out_specs=pl.BlockSpec((1, 1, _EXPERTS), lambda i: (i, 0, 0)),
        out_shape=jax.ShapeDtypeStruct((_NB, 1, _EXPERTS), jnp.float32),
    )(gate_logits)

    out = pl.pallas_call(
        _tc_final,
        out_shape=jax.ShapeDtypeStruct((1, 1), jnp.float32),
    )(psums, masks)
    return out[0, 0]

# --- scband reference (transcript-rebuilt; emitter-appended) ---
"""Pipeline reference for scband-switch-balancing-loss-29789893165063 (READ-ONLY COPY).

The authoritative reference and input builder live on the scoring server;
editing this copy changes nothing except your own understanding.
"""

import jax, jax.numpy as jnp
import numpy as np

NUM_EXPERTS = 64
TOP_K = 8
TOKENS = 32768

def setup_inputs(seed: int = 0) -> dict:
    key = jax.random.key(seed)
    gate_logits = jax.random.normal(key, (TOKENS, NUM_EXPERTS), dtype=jnp.float32)
    return {"gate_logits": gate_logits}

def reference(gate_logits):
    # Faithful translation of SwitchBalancingLoss.forward.
    # The torch module concatenates a tuple of per-layer logits along dim 0;
    # here gate_logits is already the concatenated [tokens, num_experts] tensor,
    # which is mathematically identical.
    concatenated_gate_logits = gate_logits
    routing_weights = jax.nn.softmax(concatenated_gate_logits, axis=-1)
    _, selected_experts = jax.lax.top_k(routing_weights, TOP_K)  # [tokens, top_k]
    selected_experts = selected_experts.reshape(-1)  # [tokens*top_k]
    expert_mask = jax.nn.one_hot(selected_experts, NUM_EXPERTS, dtype=jnp.float32)  # [tokens*top_k, E]
    expert_mask = jnp.max(expert_mask, axis=-2)  # [E] -- matches torch.max(..., dim=-2).values
    tokens_per_expert = jnp.mean(expert_mask, axis=0)  # scalar (mean over the E axis, as in the torch code)
    router_prob_per_expert = jnp.mean(routing_weights, axis=0)  # [E]
    overall_loss = jnp.sum(tokens_per_expert * router_prob_per_expert[..., None])
    return overall_loss * NUM_EXPERTS

if __name__ == "__main__":
    import jax
    _d = setup_inputs()
    print(jax.jit(kernel)(*tuple(_d.values())))

</pallas_src>

<mosaic_0001>
#map = affine_map<(d0, d1) -> (0, 0)>
module attributes {stable_mosaic.version = 14 : i64} {
  func.func @_sc_body(%arg0: i32, %arg1: i32, %arg2: memref<32768x64xf32, #tpu.memory_space<hbm>>, %arg3: memref<32x64xf32, #tpu.memory_space<hbm>>, %arg4: memref<256x64xf32, #tpu.memory_space<vmem>>, %arg5: memref<256x64xf32, #tpu.memory_space<vmem>>, %arg6: memref<64xf32, #tpu.memory_space<vmem>>, %arg7: memref<!tpu.dma_semaphore, #tpu.memory_space<semaphore_mem>>, %arg8: memref<!tpu.dma_semaphore, #tpu.memory_space<semaphore_mem>>) attributes {dimension_semantics = [#tpu.dimension_semantics<core_parallel>, #tpu.dimension_semantics<subcore_parallel>], iteration_bounds = array<i64: 2, 16>, scalar_prefetch = 0 : i64, scratch_operands = 5 : i64, tpu.core_type = #tpu.core_type<sc_vector_subcore>, window_params = [{transform_indices = #map}, {transform_indices = #map}]} {
    %mul3A = arith.constant 2 : i32
    %mul3A_0 = arith.muli %arg1, %mul3A : i32
    %add3A = arith.addi %mul3A_0, %arg0 : i32
    %mul3A_1 = arith.constant 1024 : i32
    %mul3A_2 = arith.muli %add3A, %mul3A_1 : i32
    %iota3A = tpu.iota {dimensions = array<i32: 0>} : vector<16xi32>
    %lt3A = arith.constant 8 : i32
    %lt3A_3 = vector.broadcast %lt3A : i32 to vector<16xi32>
    %lt3A_4 = arith.cmpi slt, %iota3A, %lt3A_3 : vector<16xi32>
    %broadcast_in_dim3A = arith.constant 8 : i32
    %broadcast_in_dim3A_5 = vector.broadcast %broadcast_in_dim3A : i32 to vector<16xi32>
    %broadcast_in_dim3A_6 = arith.constant 1.000000e+00 : f32
    %broadcast_in_dim3A_7 = vector.broadcast %broadcast_in_dim3A_6 : f32 to vector<16xf32>
    %broadcast_in_dim3A_8 = arith.constant 0.000000e+00 : f32
    %broadcast_in_dim3A_9 = vector.broadcast %broadcast_in_dim3A_8 : f32 to vector<16xf32>
    %broadcast_in_dim3A_10 = arith.constant 0xFF800000 : f32
    %broadcast_in_dim3A_11 = vector.broadcast %broadcast_in_dim3A_10 : f32 to vector<16xf32>
    %dma_start3A = arith.constant 0 : i32
    %dma_start3A_12 = tpu.memref_slice %arg2[%mul3A_2, %dma_start3A] : memref<32768x64xf32, #tpu.memory_space<hbm>> -> memref<256x64xf32, #tpu.memory_space<hbm>>
    %dma_start3A_13 = arith.constant 0 : i32
    %dma_start3A_14 = tpu.memref_slice %arg2[%mul3A_2, %dma_start3A_13] : memref<32768x64xf32, #tpu.memory_space<hbm>> -> memref<256x64xf32, #tpu.memory_space<hbm>>
    tpu.enqueue_dma source(%dma_start3A_14 : memref<256x64xf32, #tpu.memory_space<hbm>>) target(%arg4 : memref<256x64xf32, #tpu.memory_space<vmem>>) target_semaphore(%arg7 : memref<!tpu.dma_semaphore, #tpu.memory_space<semaphore_mem>>)
    %add3A_15 = arith.constant 256 : i32
    %add3A_16 = arith.addi %mul3A_2, %add3A_15 : i32
    %dma_start3A_17 = arith.constant 0 : i32
    %dma_start3A_18 = tpu.memref_slice %arg2[%add3A_16, %dma_start3A_17] : memref<32768x64xf32, #tpu.memory_space<hbm>> -> memref<256x64xf32, #tpu.memory_space<hbm>>
    %dma_start3A_19 = arith.constant 0 : i32
    %dma_start3A_20 = tpu.memref_slice %arg2[%add3A_16, %dma_start3A_19] : memref<32768x64xf32, #tpu.memory_space<hbm>> -> memref<256x64xf32, #tpu.memory_space<hbm>>
    tpu.enqueue_dma source(%dma_start3A_20 : memref<256x64xf32, #tpu.memory_space<hbm>>) target(%arg5 : memref<256x64xf32, #tpu.memory_space<vmem>>) target_semaphore(%arg8 : memref<!tpu.dma_semaphore, #tpu.memory_space<semaphore_mem>>)
    %dma_wait3A = arith.constant 0 : i32
    %dma_wait3A_21 = tpu.memref_slice %arg2[%mul3A_2, %dma_wait3A] : memref<32768x64xf32, #tpu.memory_space<hbm>> -> memref<256x64xf32, #tpu.memory_space<hbm>>
    %dma_wait3A_22 = arith.constant 0 : i32
    %dma_wait3A_23 = tpu.memref_slice %arg2[%mul3A_2, %dma_wait3A_22] : memref<32768x64xf32, #tpu.memory_space<hbm>> -> memref<256x64xf32, #tpu.memory_space<hbm>>
    tpu.wait_dma2 semaphore(%arg7 : memref<!tpu.dma_semaphore, #tpu.memory_space<semaphore_mem>>) src(%dma_wait3A_23 : memref<256x64xf32, #tpu.memory_space<hbm>>) dst(%arg4 : memref<256x64xf32, #tpu.memory_space<vmem>>)
    %parallel_loop3A = arith.constant 0 : i32
    %parallel_loop3A_24 = arith.constant 256 : i32
    %parallel_loop3A_25 = arith.constant 1 : i32
    %parallel_loop3A_26:4 = scf.for %parallel_loop3A_84 = %parallel_loop3A to %parallel_loop3A_24 step %parallel_loop3A_25 iter_args(%parallel_loop3A_85 = %broadcast_in_dim3A_11, %parallel_loop3A_86 = %broadcast_in_dim3A_11, %parallel_loop3A_87 = %broadcast_in_dim3A_11, %parallel_loop3A_88 = %broadcast_in_dim3A_11) -> (vector<16xf32>, vector<16xf32>, vector<16xf32>, vector<16xf32>)  : i32 {
      %parallel_loop3A_89 = arith.index_cast %parallel_loop3A_84 : i32 to index
      %parallel_loop3A_90 = arith.constant 0 : index
      %parallel_loop3A_91 = tpu.vector_load %arg4[%parallel_loop3A_89, %parallel_loop3A_90] {strides = array<i32>} : memref<256x64xf32, #tpu.memory_space<vmem>>, vector<16xf32>,
      %parallel_loop3A_92 = arith.index_cast %parallel_loop3A_84 : i32 to index
      %parallel_loop3A_93 = arith.constant 16 : index
      %parallel_loop3A_94 = tpu.vector_load %arg4[%parallel_loop3A_92, %parallel_loop3A_93] {strides = array<i32>} : memref<256x64xf32, #tpu.memory_space<vmem>>, vector<16xf32>,
      %parallel_loop3A_95 = arith.index_cast %parallel_loop3A_84 : i32 to index
      %parallel_loop3A_96 = arith.constant 32 : index
      %parallel_loop3A_97 = tpu.vector_load %arg4[%parallel_loop3A_95, %parallel_loop3A_96] {strides = array<i32>} : memref<256x64xf32, #tpu.memory_space<vmem>>, vector<16xf32>,
      %parallel_loop3A_98 = arith.index_cast %parallel_loop3A_84 : i32 to index
      %parallel_loop3A_99 = arith.constant 48 : index
      %parallel_loop3A_100 = tpu.vector_load %arg4[%parallel_loop3A_98, %parallel_loop3A_99] {strides = array<i32>} : memref<256x64xf32, #tpu.memory_space<vmem>>, vector<16xf32>,
      %parallel_loop3A_101 = arith.constant dense<true> : vector<16xi1>
      %parallel_loop3A_102, %parallel_loop3A_103, %parallel_loop3A_104 = tpu.sort %parallel_loop3A_91, %parallel_loop3A_91 masked %parallel_loop3A_101 {descending = true} : (vector<16xf32>, vector<16xf32>, vector<16xi1>) -> (vector<16xi1>, vector<16xf32>, vector<16xf32>)
      %parallel_loop3A_105 = arith.constant dense<true> : vector<16xi1>
      %parallel_loop3A_106, %parallel_loop3A_107, %parallel_loop3A_108 = tpu.sort %parallel_loop3A_94, %parallel_loop3A_94 masked %parallel_loop3A_105 : (vector<16xf32>, vector<16xf32>, vector<16xi1>) -> (vector<16xi1>, vector<16xf32>, vector<16xf32>)
      %parallel_loop3A_109 = arith.select %lt3A_4, %parallel_loop3A_103, %parallel_loop3A_107 : vector<16xi1>, vector<16xf32>
      %parallel_loop3A_110 = arith.constant dense<true> : vector<16xi1>
      %parallel_loop3A_111, %parallel_loop3A_112, %parallel_loop3A_113 = tpu.sort %parallel_loop3A_97, %parallel_loop3A_97 masked %parallel_loop3A_110 {descending = true} : (vector<16xf32>, vector<16xf32>, vector<16xi1>) -> (vector<16xi1>, vector<16xf32>, vector<16xf32>)
      %parallel_loop3A_114 = arith.constant dense<true> : vector<16xi1>
      %parallel_loop3A_115, %parallel_loop3A_116, %parallel_loop3A_117 = tpu.sort %parallel_loop3A_100, %parallel_loop3A_100 masked %parallel_loop3A_114 : (vector<16xf32>, vector<16xf32>, vector<16xi1>) -> (vector<16xi1>, vector<16xf32>, vector<16xf32>)
      %parallel_loop3A_118 = arith.select %lt3A_4, %parallel_loop3A_112, %parallel_loop3A_116 : vector<16xi1>, vector<16xf32>
      %parallel_loop3A_119 = arith.constant dense<true> : vector<16xi1>
      %parallel_loop3A_120, %parallel_loop3A_121, %parallel_loop3A_122 = tpu.sort %parallel_loop3A_109, %parallel_loop3A_109 masked %parallel_loop3A_119 {descending = true} : (vector<16xf32>, vector<16xf32>, vector<16xi1>) -> (vector<16xi1>, vector<16xf32>, vector<16xf32>)
      %parallel_loop3A_123 = arith.constant dense<true> : vector<16xi1>
      %parallel_loop3A_124, %parallel_loop3A_125, %parallel_loop3A_126 = tpu.sort %parallel_loop3A_118, %parallel_loop3A_118 masked %parallel_loop3A_123 : (vector<16xf32>, vector<16xf32>, vector<16xi1>) -> (vector<16xi1>, vector<16xf32>, vector<16xf32>)
      %parallel_loop3A_127 = arith.select %lt3A_4, %parallel_loop3A_121, %parallel_loop3A_125 : vector<16xi1>, vector<16xf32>
      %parallel_loop3A_128 = arith.constant dense<true> : vector<16xi1>
      %parallel_loop3A_129, %parallel_loop3A_130, %parallel_loop3A_131 = tpu.sort %parallel_loop3A_127, %parallel_loop3A_127 masked %parallel_loop3A_128 : (vector<16xf32>, vector<16xf32>, vector<16xi1>) -> (vector<16xi1>, vector<16xf32>, vector<16xf32>)
      %parallel_loop3A_132 = arith.constant 0 : i32
      %parallel_loop3A_133 = vector.broadcast %parallel_loop3A_132 : i32 to vector<16xi32>
      %parallel_loop3A_134 = arith.cmpi slt, %broadcast_in_dim3A_5, %parallel_loop3A_133 : vector<16xi32>
      %parallel_loop3A_135 = arith.constant 16 : i32
      %parallel_loop3A_136 = vector.broadcast %parallel_loop3A_135 : i32 to vector<16xi32>
      %parallel_loop3A_137 = arith.addi %broadcast_in_dim3A_5, %parallel_loop3A_136 : vector<16xi32>
      %parallel_loop3A_138 = arith.select %parallel_loop3A_134, %parallel_loop3A_137, %broadcast_in_dim3A_5 : vector<16xi1>, vector<16xi32>
      %parallel_loop3A_139 = vector.shape_cast %parallel_loop3A_138 : vector<16xi32> to vector<16x1xi32>
      %parallel_loop3A_140 = vector.shape_cast %parallel_loop3A_139 : vector<16x1xi32> to vector<16xi32>
      %parallel_loop3A_141 = tpu.dynamic_gather %parallel_loop3A_130[%parallel_loop3A_140] in [0] : vector<16xf32>, vector<16xi32> -> vector<16xf32>
      %parallel_loop3A_142 = arith.subf %parallel_loop3A_91, %parallel_loop3A_141 : vector<16xf32>
      %parallel_loop3A_143 = arith.maximumf %parallel_loop3A_85, %parallel_loop3A_142 : vector<16xf32>
      %parallel_loop3A_144 = arith.subf %parallel_loop3A_94, %parallel_loop3A_141 : vector<16xf32>
      %parallel_loop3A_145 = arith.maximumf %parallel_loop3A_86, %parallel_loop3A_144 : vector<16xf32>
      %parallel_loop3A_146 = arith.subf %parallel_loop3A_97, %parallel_loop3A_141 : vector<16xf32>
      %parallel_loop3A_147 = arith.maximumf %parallel_loop3A_87, %parallel_loop3A_146 : vector<16xf32>
      %parallel_loop3A_148 = arith.subf %parallel_loop3A_100, %parallel_loop3A_141 : vector<16xf32>
      %parallel_loop3A_149 = arith.maximumf %parallel_loop3A_88, %parallel_loop3A_148 : vector<16xf32>
      scf.yield %parallel_loop3A_143, %parallel_loop3A_145, %parallel_loop3A_147, %parallel_loop3A_149 : vector<16xf32>, vector<16xf32>, vector<16xf32>, vector<16xf32>
    } {sc.loop_unroll_factor = 4 : i64, sc.parallel_access}
    %add3A_27 = arith.constant 512 : i32
    %add3A_28 = arith.addi %mul3A_2, %add3A_27 : i32
    %dma_start3A_29 = arith.constant 0 : i32
    %dma_start3A_30 = tpu.memref_slice %arg2[%add3A_28, %dma_start3A_29] : memref<32768x64xf32, #tpu.memory_space<hbm>> -> memref<256x64xf32, #tpu.memory_space<hbm>>
    %dma_start3A_31 = arith.constant 0 : i32
    %dma_start3A_32 = tpu.memref_slice %arg2[%add3A_28, %dma_start3A_31] : memref<32768x64xf32, #tpu.memory_space<hbm>> -> memref<256x64xf32, #tpu.memory_space<hbm>>
    tpu.enqueue_dma source(%dma_start3A_32 : memref<256x64xf32, #tpu.memory_space<hbm>>) target(%arg4 : memref<256x64xf32, #tpu.memory_space<vmem>>) target_semaphore(%arg7 : memref<!tpu.dma_semaphore, #tpu.memory_space<semaphore_mem>>)
    %dma_wait3A_33 = arith.constant 0 : i32
    %dma_wait3A_34 = tpu.memref_slice %arg2[%add3A_16, %dma_wait3A_33] : memref<32768x64xf32, #tpu.memory_space<hbm>> -> memref<256x64xf32, #tpu.memory_space<hbm>>
    %dma_wait3A_35 = arith.constant 0 : i32
    %dma_wait3A_36 = tpu.memref_slice %arg2[%add3A_16, %dma_wait3A_35] : memref<32768x64xf32, #tpu.memory_space<hbm>> -> memref<256x64xf32, #tpu.memory_space<hbm>>
    tpu.wait_dma2 semaphore(%arg8 : memref<!tpu.dma_semaphore, #tpu.memory_space<semaphore_mem>>) src(%dma_wait3A_36 : memref<256x64xf32, #tpu.memory_space<hbm>>) dst(%arg5 : memref<256x64xf32, #tpu.memory_space<vmem>>)
    %parallel_loop3A_37 = arith.constant 0 : i32
    %parallel_loop3A_38 = arith.constant 256 : i32
    %parallel_loop3A_39 = arith.constant 1 : i32
    %parallel_loop3A_40:4 = scf.for %parallel_loop3A_84 = %parallel_loop3A_37 to %parallel_loop3A_38 step %parallel_loop3A_39 iter_args(%parallel_loop3A_85 = %parallel_loop3A_26#0, %parallel_loop3A_86 = %parallel_loop3A_26#1, %parallel_loop3A_87 = %parallel_loop3A_26#2, %parallel_loop3A_88 = %parallel_loop3A_26#3) -> (vector<16xf32>, vector<16xf32>, vector<16xf32>, vector<16xf32>)  : i32 {
      %parallel_loop3A_89 = arith.index_cast %parallel_loop3A_84 : i32 to index
      %parallel_loop3A_90 = arith.constant 0 : index
      %parallel_loop3A_91 = tpu.vector_load %arg5[%parallel_loop3A_89, %parallel_loop3A_90] {strides = array<i32>} : memref<256x64xf32, #tpu.memory_space<vmem>>, vector<16xf32>,
      %parallel_loop3A_92 = arith.index_cast %parallel_loop3A_84 : i32 to index
      %parallel_loop3A_93 = arith.constant 16 : index
      %parallel_loop3A_94 = tpu.vector_load %arg5[%parallel_loop3A_92, %parallel_loop3A_93] {strides = array<i32>} : memref<256x64xf32, #tpu.memory_space<vmem>>, vector<16xf32>,
      %parallel_loop3A_95 = arith.index_cast %parallel_loop3A_84 : i32 to index
      %parallel_loop3A_96 = arith.constant 32 : index
      %parallel_loop3A_97 = tpu.vector_load %arg5[%parallel_loop3A_95, %parallel_loop3A_96] {strides = array<i32>} : memref<256x64xf32, #tpu.memory_space<vmem>>, vector<16xf32>,
      %parallel_loop3A_98 = arith.index_cast %parallel_loop3A_84 : i32 to index
      %parallel_loop3A_99 = arith.constant 48 : index
      %parallel_loop3A_100 = tpu.vector_load %arg5[%parallel_loop3A_98, %parallel_loop3A_99] {strides = array<i32>} : memref<256x64xf32, #tpu.memory_space<vmem>>, vector<16xf32>,
      %parallel_loop3A_101 = arith.constant dense<true> : vector<16xi1>
      %parallel_loop3A_102, %parallel_loop3A_103, %parallel_loop3A_104 = tpu.sort %parallel_loop3A_91, %parallel_loop3A_91 masked %parallel_loop3A_101 {descending = true} : (vector<16xf32>, vector<16xf32>, vector<16xi1>) -> (vector<16xi1>, vector<16xf32>, vector<16xf32>)
      %parallel_loop3A_105 = arith.constant dense<true> : vector<16xi1>
      %parallel_loop3A_106, %parallel_loop3A_107, %parallel_loop3A_108 = tpu.sort %parallel_loop3A_94, %parallel_loop3A_94 masked %parallel_loop3A_105 : (vector<16xf32>, vector<16xf32>, vector<16xi1>) -> (vector<16xi1>, vector<16xf32>, vector<16xf32>)
      %parallel_loop3A_109 = arith.select %lt3A_4, %parallel_loop3A_103, %parallel_loop3A_107 : vector<16xi1>, vector<16xf32>
      %parallel_loop3A_110 = arith.constant dense<true> : vector<16xi1>
      %parallel_loop3A_111, %parallel_loop3A_112, %parallel_loop3A_113 = tpu.sort %parallel_loop3A_97, %parallel_loop3A_97 masked %parallel_loop3A_110 {descending = true} : (vector<16xf32>, vector<16xf32>, vector<16xi1>) -> (vector<16xi1>, vector<16xf32>, vector<16xf32>)
      %parallel_loop3A_114 = arith.constant dense<true> : vector<16xi1>
      %parallel_loop3A_115, %parallel_loop3A_116, %parallel_loop3A_117 = tpu.sort %parallel_loop3A_100, %parallel_loop3A_100 masked %parallel_loop3A_114 : (vector<16xf32>, vector<16xf32>, vector<16xi1>) -> (vector<16xi1>, vector<16xf32>, vector<16xf32>)
      %parallel_loop3A_118 = arith.select %lt3A_4, %parallel_loop3A_112, %parallel_loop3A_116 : vector<16xi1>, vector<16xf32>
      %parallel_loop3A_119 = arith.constant dense<true> : vector<16xi1>
      %parallel_loop3A_120, %parallel_loop3A_121, %parallel_loop3A_122 = tpu.sort %parallel_loop3A_109, %parallel_loop3A_109 masked %parallel_loop3A_119 {descending = true} : (vector<16xf32>, vector<16xf32>, vector<16xi1>) -> (vector<16xi1>, vector<16xf32>, vector<16xf32>)
      %parallel_loop3A_123 = arith.constant dense<true> : vector<16xi1>
      %parallel_loop3A_124, %parallel_loop3A_125, %parallel_loop3A_126 = tpu.sort %parallel_loop3A_118, %parallel_loop3A_118 masked %parallel_loop3A_123 : (vector<16xf32>, vector<16xf32>, vector<16xi1>) -> (vector<16xi1>, vector<16xf32>, vector<16xf32>)
      %parallel_loop3A_127 = arith.select %lt3A_4, %parallel_loop3A_121, %parallel_loop3A_125 : vector<16xi1>, vector<16xf32>
      %parallel_loop3A_128 = arith.constant dense<true> : vector<16xi1>
      %parallel_loop3A_129, %parallel_loop3A_130, %parallel_loop3A_131 = tpu.sort %parallel_loop3A_127, %parallel_loop3A_127 masked %parallel_loop3A_128 : (vector<16xf32>, vector<16xf32>, vector<16xi1>) -> (vector<16xi1>, vector<16xf32>, vector<16xf32>)
      %parallel_loop3A_132 = arith.constant 0 : i32
      %parallel_loop3A_133 = vector.broadcast %parallel_loop3A_132 : i32 to vector<16xi32>
      %parallel_loop3A_134 = arith.cmpi slt, %broadcast_in_dim3A_5, %parallel_loop3A_133 : vector<16xi32>
      %parallel_loop3A_135 = arith.constant 16 : i32
      %parallel_loop3A_136 = vector.broadcast %parallel_loop3A_135 : i32 to vector<16xi32>
      %parallel_loop3A_137 = arith.addi %broadcast_in_dim3A_5, %parallel_loop3A_136 : vector<16xi32>
      %parallel_loop3A_138 = arith.select %parallel_loop3A_134, %parallel_loop3A_137, %broadcast_in_dim3A_5 : vector<16xi1>, vector<16xi32>
      %parallel_loop3A_139 = vector.shape_cast %parallel_loop3A_138 : vector<16xi32> to vector<16x1xi32>
      %parallel_loop3A_140 = vector.shape_cast %parallel_loop3A_139 : vector<16x1xi32> to vector<16xi32>
      %parallel_loop3A_141 = tpu.dynamic_gather %parallel_loop3A_130[%parallel_loop3A_140] in [0] : vector<16xf32>, vector<16xi32> -> vector<16xf32>
      %parallel_loop3A_142 = arith.subf %parallel_loop3A_91, %parallel_loop3A_141 : vector<16xf32>
      %parallel_loop3A_143 = arith.maximumf %parallel_loop3A_85, %parallel_loop3A_142 : vector<16xf32>
      %parallel_loop3A_144 = arith.subf %parallel_loop3A_94, %parallel_loop3A_141 : vector<16xf32>
      %parallel_loop3A_145 = arith.maximumf %parallel_loop3A_86, %parallel_loop3A_144 : vector<16xf32>
      %parallel_loop3A_146 = arith.subf %parallel_loop3A_97, %parallel_loop3A_141 : vector<16xf32>
      %parallel_loop3A_147 = arith.maximumf %parallel_loop3A_87, %parallel_loop3A_146 : vector<16xf32>
      %parallel_loop3A_148 = arith.subf %parallel_loop3A_100, %parallel_loop3A_141 : vector<16xf32>
      %parallel_loop3A_149 = arith.maximumf %parallel_loop3A_88, %parallel_loop3A_148 : vector<16xf32>
      scf.yield %parallel_loop3A_143, %parallel_loop3A_145, %parallel_loop3A_147, %parallel_loop3A_149 : vector<16xf32>, vector<16xf32>, vector<16xf32>, vector<16xf32>
    } {sc.loop_unroll_factor = 4 : i64, sc.parallel_access}
    %add3A_41 = arith.constant 768 : i32
    %add3A_42 = arith.addi %mul3A_2, %add3A_41 : i32
    %dma_start3A_43 = arith.constant 0 : i32
    %dma_start3A_44 = tpu.memref_slice %arg2[%add3A_42, %dma_start3A_43] : memref<32768x64xf32, #tpu.memory_space<hbm>> -> memref<256x64xf32, #tpu.memory_space<hbm>>
    %dma_start3A_45 = arith.constant 0 : i32
    %dma_start3A_46 = tpu.memref_slice %arg2[%add3A_42, %dma_start3A_45] : memref<32768x64xf32, #tpu.memory_space<hbm>> -> memref<256x64xf32, #tpu.memory_space<hbm>>
    tpu.enqueue_dma source(%dma_start3A_46 : memref<256x64xf32, #tpu.memory_space<hbm>>) target(%arg5 : memref<256x64xf32, #tpu.memory_space<vmem>>) target_semaphore(%arg8 : memref<!tpu.dma_semaphore, #tpu.memory_space<semaphore_mem>>)
    %dma_wait3A_47 = arith.constant 0 : i32
    %dma_wait3A_48 = tpu.memref_slice %arg2[%add3A_28, %dma_wait3A_47] : memref<32768x64xf32, #tpu.memory_space<hbm>> -> memref<256x64xf32, #tpu.memory_space<hbm>>
    %dma_wait3A_49 = arith.constant 0 : i32
    %dma_wait3A_50 = tpu.memref_slice %arg2[%add3A_28, %dma_wait3A_49] : memref<32768x64xf32, #tpu.memory_space<hbm>> -> memref<256x64xf32, #tpu.memory_space<hbm>>
    tpu.wait_dma2 semaphore(%arg7 : memref<!tpu.dma_semaphore, #tpu.memory_space<semaphore_mem>>) src(%dma_wait3A_50 : memref<256x64xf32, #tpu.memory_space<hbm>>) dst(%arg4 : memref<256x64xf32, #tpu.memory_space<vmem>>)
    %parallel_loop3A_51 = arith.constant 0 : i32
    %parallel_loop3A_52 = arith.constant 256 : i32
    %parallel_loop3A_53 = arith.constant 1 : i32
    %parallel_loop3A_54:4 = scf.for %parallel_loop3A_84 = %parallel_loop3A_51 to %parallel_loop3A_52 step %parallel_loop3A_53 iter_args(%parallel_loop3A_85 = %parallel_loop3A_40#0, %parallel_loop3A_86 = %parallel_loop3A_40#1, %parallel_loop3A_87 = %parallel_loop3A_40#2, %parallel_loop3A_88 = %parallel_loop3A_40#3) -> (vector<16xf32>, vector<16xf32>, vector<16xf32>, vector<16xf32>)  : i32 {
      %parallel_loop3A_89 = arith.index_cast %parallel_loop3A_84 : i32 to index
      %parallel_loop3A_90 = arith.constant 0 : index
      %parallel_loop3A_91 = tpu.vector_load %arg4[%parallel_loop3A_89, %parallel_loop3A_90] {strides = array<i32>} : memref<256x64xf32, #tpu.memory_space<vmem>>, vector<16xf32>,
      %parallel_loop3A_92 = arith.index_cast %parallel_loop3A_84 : i32 to index
      %parallel_loop3A_93 = arith.constant 16 : index
      %parallel_loop3A_94 = tpu.vector_load %arg4[%parallel_loop3A_92, %parallel_loop3A_93] {strides = array<i32>} : memref<256x64xf32, #tpu.memory_space<vmem>>, vector<16xf32>,
      %parallel_loop3A_95 = arith.index_cast %parallel_loop3A_84 : i32 to index
      %parallel_loop3A_96 = arith.constant 32 : index
      %parallel_loop3A_97 = tpu.vector_load %arg4[%parallel_loop3A_95, %parallel_loop3A_96] {strides = array<i32>} : memref<256x64xf32, #tpu.memory_space<vmem>>, vector<16xf32>,
      %parallel_loop3A_98 = arith.index_cast %parallel_loop3A_84 : i32 to index
      %parallel_loop3A_99 = arith.constant 48 : index
      %parallel_loop3A_100 = tpu.vector_load %arg4[%parallel_loop3A_98, %parallel_loop3A_99] {strides = array<i32>} : memref<256x64xf32, #tpu.memory_space<vmem>>, vector<16xf32>,
      %parallel_loop3A_101 = arith.constant dense<true> : vector<16xi1>
      %parallel_loop3A_102, %parallel_loop3A_103, %parallel_loop3A_104 = tpu.sort %parallel_loop3A_91, %parallel_loop3A_91 masked %parallel_loop3A_101 {descending = true} : (vector<16xf32>, vector<16xf32>, vector<16xi1>) -> (vector<16xi1>, vector<16xf32>, vector<16xf32>)
      %parallel_loop3A_105 = arith.constant dense<true> : vector<16xi1>
      %parallel_loop3A_106, %parallel_loop3A_107, %parallel_loop3A_108 = tpu.sort %parallel_loop3A_94, %parallel_loop3A_94 masked %parallel_loop3A_105 : (vector<16xf32>, vector<16xf32>, vector<16xi1>) -> (vector<16xi1>, vector<16xf32>, vector<16xf32>)
      %parallel_loop3A_109 = arith.select %lt3A_4, %parallel_loop3A_103, %parallel_loop3A_107 : vector<16xi1>, vector<16xf32>
      %parallel_loop3A_110 = arith.constant dense<true> : vector<16xi1>
      %parallel_loop3A_111, %parallel_loop3A_112, %parallel_loop3A_113 = tpu.sort %parallel_loop3A_97, %parallel_loop3A_97 masked %parallel_loop3A_110 {descending = true} : (vector<16xf32>, vector<16xf32>, vector<16xi1>) -> (vector<16xi1>, vector<16xf32>, vector<16xf32>)
      %parallel_loop3A_114 = arith.constant dense<true> : vector<16xi1>
      %parallel_loop3A_115, %parallel_loop3A_116, %parallel_loop3A_117 = tpu.sort %parallel_loop3A_100, %parallel_loop3A_100 masked %parallel_loop3A_114 : (vector<16xf32>, vector<16xf32>, vector<16xi1>) -> (vector<16xi1>, vector<16xf32>, vector<16xf32>)
      %parallel_loop3A_118 = arith.select %lt3A_4, %parallel_loop3A_112, %parallel_loop3A_116 : vector<16xi1>, vector<16xf32>
      %parallel_loop3A_119 = arith.constant dense<true> : vector<16xi1>
      %parallel_loop3A_120, %parallel_loop3A_121, %parallel_loop3A_122 = tpu.sort %parallel_loop3A_109, %parallel_loop3A_109 masked %parallel_loop3A_119 {descending = true} : (vector<16xf32>, vector<16xf32>, vector<16xi1>) -> (vector<16xi1>, vector<16xf32>, vector<16xf32>)
      %parallel_loop3A_123 = arith.constant dense<true> : vector<16xi1>
      %parallel_loop3A_124, %parallel_loop3A_125, %parallel_loop3A_126 = tpu.sort %parallel_loop3A_118, %parallel_loop3A_118 masked %parallel_loop3A_123 : (vector<16xf32>, vector<16xf32>, vector<16xi1>) -> (vector<16xi1>, vector<16xf32>, vector<16xf32>)
      %parallel_loop3A_127 = arith.select %lt3A_4, %parallel_loop3A_121, %parallel_loop3A_125 : vector<16xi1>, vector<16xf32>
      %parallel_loop3A_128 = arith.constant dense<true> : vector<16xi1>
      %parallel_loop3A_129, %parallel_loop3A_130, %parallel_loop3A_131 = tpu.sort %parallel_loop3A_127, %parallel_loop3A_127 masked %parallel_loop3A_128 : (vector<16xf32>, vector<16xf32>, vector<16xi1>) -> (vector<16xi1>, vector<16xf32>, vector<16xf32>)
      %parallel_loop3A_132 = arith.constant 0 : i32
      %parallel_loop3A_133 = vector.broadcast %parallel_loop3A_132 : i32 to vector<16xi32>
      %parallel_loop3A_134 = arith.cmpi slt, %broadcast_in_dim3A_5, %parallel_loop3A_133 : vector<16xi32>
      %parallel_loop3A_135 = arith.constant 16 : i32
      %parallel_loop3A_136 = vector.broadcast %parallel_loop3A_135 : i32 to vector<16xi32>
      %parallel_loop3A_137 = arith.addi %broadcast_in_dim3A_5, %parallel_loop3A_136 : vector<16xi32>
      %parallel_loop3A_138 = arith.select %parallel_loop3A_134, %parallel_loop3A_137, %broadcast_in_dim3A_5 : vector<16xi1>, vector<16xi32>
      %parallel_loop3A_139 = vector.shape_cast %parallel_loop3A_138 : vector<16xi32> to vector<16x1xi32>
      %parallel_loop3A_140 = vector.shape_cast %parallel_loop3A_139 : vector<16x1xi32> to vector<16xi32>
      %parallel_loop3A_141 = tpu.dynamic_gather %parallel_loop3A_130[%parallel_loop3A_140] in [0] : vector<16xf32>, vector<16xi32> -> vector<16xf32>
      %parallel_loop3A_142 = arith.subf %parallel_loop3A_91, %parallel_loop3A_141 : vector<16xf32>
      %parallel_loop3A_143 = arith.maximumf %parallel_loop3A_85, %parallel_loop3A_142 : vector<16xf32>
      %parallel_loop3A_144 = arith.subf %parallel_loop3A_94, %parallel_loop3A_141 : vector<16xf32>
      %parallel_loop3A_145 = arith.maximumf %parallel_loop3A_86, %parallel_loop3A_144 : vector<16xf32>
      %parallel_loop3A_146 = arith.subf %parallel_loop3A_97, %parallel_loop3A_141 : vector<16xf32>
      %parallel_loop3A_147 = arith.maximumf %parallel_loop3A_87, %parallel_loop3A_146 : vector<16xf32>
      %parallel_loop3A_148 = arith.subf %parallel_loop3A_100, %parallel_loop3A_141 : vector<16xf32>
      %parallel_loop3A_149 = arith.maximumf %parallel_loop3A_88, %parallel_loop3A_148 : vector<16xf32>
      scf.yield %parallel_loop3A_143, %parallel_loop3A_145, %parallel_loop3A_147, %parallel_loop3A_149 : vector<16xf32>, vector<16xf32>, vector<16xf32>, vector<16xf32>
    } {sc.loop_unroll_factor = 4 : i64, sc.parallel_access}
    %dma_wait3A_55 = arith.constant 0 : i32
    %dma_wait3A_56 = tpu.memref_slice %arg2[%add3A_42, %dma_wait3A_55] : memref<32768x64xf32, #tpu.memory_space<hbm>> -> memref<256x64xf32, #tpu.memory_space<hbm>>
    %dma_wait3A_57 = arith.constant 0 : i32
    %dma_wait3A_58 = tpu.memref_slice %arg2[%add3A_42, %dma_wait3A_57] : memref<32768x64xf32, #tpu.memory_space<hbm>> -> memref<256x64xf32, #tpu.memory_space<hbm>>
    tpu.wait_dma2 semaphore(%arg8 : memref<!tpu.dma_semaphore, #tpu.memory_space<semaphore_mem>>) src(%dma_wait3A_58 : memref<256x64xf32, #tpu.memory_space<hbm>>) dst(%arg5 : memref<256x64xf32, #tpu.memory_space<vmem>>)
    %parallel_loop3A_59 = arith.constant 0 : i32
    %parallel_loop3A_60 = arith.constant 256 : i32
    %parallel_loop3A_61 = arith.constant 1 : i32
    %parallel_loop3A_62:4 = scf.for %parallel_loop3A_84 = %parallel_loop3A_59 to %parallel_loop3A_60 step %parallel_loop3A_61 iter_args(%parallel_loop3A_85 = %parallel_loop3A_54#0, %parallel_loop3A_86 = %parallel_loop3A_54#1, %parallel_loop3A_87 = %parallel_loop3A_54#2, %parallel_loop3A_88 = %parallel_loop3A_54#3) -> (vector<16xf32>, vector<16xf32>, vector<16xf32>, vector<16xf32>)  : i32 {
      %parallel_loop3A_89 = arith.index_cast %parallel_loop3A_84 : i32 to index
      %parallel_loop3A_90 = arith.constant 0 : index
      %parallel_loop3A_91 = tpu.vector_load %arg5[%parallel_loop3A_89, %parallel_loop3A_90] {strides = array<i32>} : memref<256x64xf32, #tpu.memory_space<vmem>>, vector<16xf32>,
      %parallel_loop3A_92 = arith.index_cast %parallel_loop3A_84 : i32 to index
      %parallel_loop3A_93 = arith.constant 16 : index
      %parallel_loop3A_94 = tpu.vector_load %arg5[%parallel_loop3A_92, %parallel_loop3A_93] {strides = array<i32>} : memref<256x64xf32, #tpu.memory_space<vmem>>, vector<16xf32>,
      %parallel_loop3A_95 = arith.index_cast %parallel_loop3A_84 : i32 to index
      %parallel_loop3A_96 = arith.constant 32 : index
      %parallel_loop3A_97 = tpu.vector_load %arg5[%parallel_loop3A_95, %parallel_loop3A_96] {strides = array<i32>} : memref<256x64xf32, #tpu.memory_space<vmem>>, vector<16xf32>,
      %parallel_loop3A_98 = arith.index_cast %parallel_loop3A_84 : i32 to index
      %parallel_loop3A_99 = arith.constant 48 : index
      %parallel_loop3A_100 = tpu.vector_load %arg5[%parallel_loop3A_98, %parallel_loop3A_99] {strides = array<i32>} : memref<256x64xf32, #tpu.memory_space<vmem>>, vector<16xf32>,
      %parallel_loop3A_101 = arith.constant dense<true> : vector<16xi1>
      %parallel_loop3A_102, %parallel_loop3A_103, %parallel_loop3A_104 = tpu.sort %parallel_loop3A_91, %parallel_loop3A_91 masked %parallel_loop3A_101 {descending = true} : (vector<16xf32>, vector<16xf32>, vector<16xi1>) -> (vector<16xi1>, vector<16xf32>, vector<16xf32>)
      %parallel_loop3A_105 = arith.constant dense<true> : vector<16xi1>
      %parallel_loop3A_106, %parallel_loop3A_107, %parallel_loop3A_108 = tpu.sort %parallel_loop3A_94, %parallel_loop3A_94 masked %parallel_loop3A_105 : (vector<16xf32>, vector<16xf32>, vector<16xi1>) -> (vector<16xi1>, vector<16xf32>, vector<16xf32>)
      %parallel_loop3A_109 = arith.select %lt3A_4, %parallel_loop3A_103, %parallel_loop3A_107 : vector<16xi1>, vector<16xf32>
      %parallel_loop3A_110 = arith.constant dense<true> : vector<16xi1>
      %parallel_loop3A_111, %parallel_loop3A_112, %parallel_loop3A_113 = tpu.sort %parallel_loop3A_97, %parallel_loop3A_97 masked %parallel_loop3A_110 {descending = true} : (vector<16xf32>, vector<16xf32>, vector<16xi1>) -> (vector<16xi1>, vector<16xf32>, vector<16xf32>)
      %parallel_loop3A_114 = arith.constant dense<true> : vector<16xi1>
      %parallel_loop3A_115, %parallel_loop3A_116, %parallel_loop3A_117 = tpu.sort %parallel_loop3A_100, %parallel_loop3A_100 masked %parallel_loop3A_114 : (vector<16xf32>, vector<16xf32>, vector<16xi1>) -> (vector<16xi1>, vector<16xf32>, vector<16xf32>)
      %parallel_loop3A_118 = arith.select %lt3A_4, %parallel_loop3A_112, %parallel_loop3A_116 : vector<16xi1>, vector<16xf32>
      %parallel_loop3A_119 = arith.constant dense<true> : vector<16xi1>
      %parallel_loop3A_120, %parallel_loop3A_121, %parallel_loop3A_122 = tpu.sort %parallel_loop3A_109, %parallel_loop3A_109 masked %parallel_loop3A_119 {descending = true} : (vector<16xf32>, vector<16xf32>, vector<16xi1>) -> (vector<16xi1>, vector<16xf32>, vector<16xf32>)
      %parallel_loop3A_123 = arith.constant dense<true> : vector<16xi1>
      %parallel_loop3A_124, %parallel_loop3A_125, %parallel_loop3A_126 = tpu.sort %parallel_loop3A_118, %parallel_loop3A_118 masked %parallel_loop3A_123 : (vector<16xf32>, vector<16xf32>, vector<16xi1>) -> (vector<16xi1>, vector<16xf32>, vector<16xf32>)
      %parallel_loop3A_127 = arith.select %lt3A_4, %parallel_loop3A_121, %parallel_loop3A_125 : vector<16xi1>, vector<16xf32>
      %parallel_loop3A_128 = arith.constant dense<true> : vector<16xi1>
      %parallel_loop3A_129, %parallel_loop3A_130, %parallel_loop3A_131 = tpu.sort %parallel_loop3A_127, %parallel_loop3A_127 masked %parallel_loop3A_128 : (vector<16xf32>, vector<16xf32>, vector<16xi1>) -> (vector<16xi1>, vector<16xf32>, vector<16xf32>)
      %parallel_loop3A_132 = arith.constant 0 : i32
      %parallel_loop3A_133 = vector.broadcast %parallel_loop3A_132 : i32 to vector<16xi32>
      %parallel_loop3A_134 = arith.cmpi slt, %broadcast_in_dim3A_5, %parallel_loop3A_133 : vector<16xi32>
      %parallel_loop3A_135 = arith.constant 16 : i32
      %parallel_loop3A_136 = vector.broadcast %parallel_loop3A_135 : i32 to vector<16xi32>
      %parallel_loop3A_137 = arith.addi %broadcast_in_dim3A_5, %parallel_loop3A_136 : vector<16xi32>
      %parallel_loop3A_138 = arith.select %parallel_loop3A_134, %parallel_loop3A_137, %broadcast_in_dim3A_5 : vector<16xi1>, vector<16xi32>
      %parallel_loop3A_139 = vector.shape_cast %parallel_loop3A_138 : vector<16xi32> to vector<16x1xi32>
      %parallel_loop3A_140 = vector.shape_cast %parallel_loop3A_139 : vector<16x1xi32> to vector<16xi32>
      %parallel_loop3A_141 = tpu.dynamic_gather %parallel_loop3A_130[%parallel_loop3A_140] in [0] : vector<16xf32>, vector<16xi32> -> vector<16xf32>
      %parallel_loop3A_142 = arith.subf %parallel_loop3A_91, %parallel_loop3A_141 : vector<16xf32>
      %parallel_loop3A_143 = arith.maximumf %parallel_loop3A_85, %parallel_loop3A_142 : vector<16xf32>
      %parallel_loop3A_144 = arith.subf %parallel_loop3A_94, %parallel_loop3A_141 : vector<16xf32>
      %parallel_loop3A_145 = arith.maximumf %parallel_loop3A_86, %parallel_loop3A_144 : vector<16xf32>
      %parallel_loop3A_146 = arith.subf %parallel_loop3A_97, %parallel_loop3A_141 : vector<16xf32>
      %parallel_loop3A_147 = arith.maximumf %parallel_loop3A_87, %parallel_loop3A_146 : vector<16xf32>
      %parallel_loop3A_148 = arith.subf %parallel_loop3A_100, %parallel_loop3A_141 : vector<16xf32>
      %parallel_loop3A_149 = arith.maximumf %parallel_loop3A_88, %parallel_loop3A_148 : vector<16xf32>
      scf.yield %parallel_loop3A_143, %parallel_loop3A_145, %parallel_loop3A_147, %parallel_loop3A_149 : vector<16xf32>, vector<16xf32>, vector<16xf32>, vector<16xf32>
    } {sc.loop_unroll_factor = 4 : i64, sc.parallel_access}
    %ge3A = arith.constant 0.000000e+00 : f32
    %ge3A_63 = vector.broadcast %ge3A : f32 to vector<16xf32>
    %ge3A_64 = arith.cmpf oge, %parallel_loop3A_62#0, %ge3A_63 : vector<16xf32>
    %select_n3A = arith.select %ge3A_64, %broadcast_in_dim3A_7, %broadcast_in_dim3A_9 : vector<16xi1>, vector<16xf32>
    %swap3A = arith.constant 0 : index
    %swap3A_65 = tpu.vector_load %arg6[%swap3A] {strides = array<i32>} : memref<64xf32, #tpu.memory_space<vmem>>, vector<16xf32>,
    tpu.vector_store %arg6[%swap3A], %select_n3A {strides = array<i32>} : memref<64xf32, #tpu.memory_space<vmem>>, vector<16xf32>,
    %ge3A_66 = arith.constant 0.000000e+00 : f32
    %ge3A_67 = vector.broadcast %ge3A_66 : f32 to vector<16xf32>
    %ge3A_68 = arith.cmpf oge, %parallel_loop3A_62#1, %ge3A_67 : vector<16xf32>
    %select_n3A_69 = arith.select %ge3A_68, %broadcast_in_dim3A_7, %broadcast_in_dim3A_9 : vector<16xi1>, vector<16xf32>
    %swap3A_70 = arith.constant 16 : index
    %swap3A_71 = tpu.vector_load %arg6[%swap3A_70] {strides = array<i32>} : memref<64xf32, #tpu.memory_space<vmem>>, vector<16xf32>,
    tpu.vector_store %arg6[%swap3A_70], %select_n3A_69 {strides = array<i32>} : memref<64xf32, #tpu.memory_space<vmem>>, vector<16xf32>,
    %ge3A_72 = arith.constant 0.000000e+00 : f32
    %ge3A_73 = vector.broadcast %ge3A_72 : f32 to vector<16xf32>
    %ge3A_74 = arith.cmpf oge, %parallel_loop3A_62#2, %ge3A_73 : vector<16xf32>
    %select_n3A_75 = arith.select %ge3A_74, %broadcast_in_dim3A_7, %broadcast_in_dim3A_9 : vector<16xi1>, vector<16xf32>
    %swap3A_76 = arith.constant 32 : index
    %swap3A_77 = tpu.vector_load %arg6[%swap3A_76] {strides = array<i32>} : memref<64xf32, #tpu.memory_space<vmem>>, vector<16xf32>,
    tpu.vector_store %arg6[%swap3A_76], %select_n3A_75 {strides = array<i32>} : memref<64xf32, #tpu.memory_space<vmem>>, vector<16xf32>,
    %ge3A_78 = arith.constant 0.000000e+00 : f32
    %ge3A_79 = vector.broadcast %ge3A_78 : f32 to vector<16xf32>
    %ge3A_80 = arith.cmpf oge, %parallel_loop3A_62#3, %ge3A_79 : vector<16xf32>
    %select_n3A_81 = arith.select %ge3A_80, %broadcast_in_dim3A_7, %broadcast_in_dim3A_9 : vector<16xi1>, vector<16xf32>
    %swap3A_82 = arith.constant 48 : index
    %swap3A_83 = tpu.vector_load %arg6[%swap3A_82] {strides = array<i32>} : memref<64xf32, #tpu.memory_space<vmem>>, vector<16xf32>,
    tpu.vector_store %arg6[%swap3A_82], %select_n3A_81 {strides = array<i32>} : memref<64xf32, #tpu.memory_space<vmem>>, vector<16xf32>,
    "tpu.region"() ({
      %run_scoped3A = tpu.sem_alloc : memref<!tpu.dma_semaphore, #tpu.memory_space<semaphore_mem>>
      %dma_start3A_84 = arith.constant 0 : i32
      %dma_start3A_85 = tpu.memref_slice %arg3[%add3A, %dma_start3A_84] : memref<32x64xf32, #tpu.memory_space<hbm>> -> memref<1x64xf32, #tpu.memory_space<hbm>>
      %dma_start3A_86 = tpu.memref_squeeze %dma_start3A_85 : memref<1x64xf32, #tpu.memory_space<hbm>> -> memref<64xf32, #tpu.memory_space<hbm>>
      %dma_start3A_87 = arith.constant 0 : i32
      %dma_start3A_88 = tpu.memref_slice %arg3[%add3A, %dma_start3A_87] : memref<32x64xf32, #tpu.memory_space<hbm>> -> memref<1x64xf32, #tpu.memory_space<hbm>>
      %dma_start3A_89 = tpu.memref_squeeze %dma_start3A_88 : memref<1x64xf32, #tpu.memory_space<hbm>> -> memref<64xf32, #tpu.memory_space<hbm>>
      tpu.enqueue_dma source(%arg6 : memref<64xf32, #tpu.memory_space<vmem>>) target(%dma_start3A_89 : memref<64xf32, #tpu.memory_space<hbm>>) target_semaphore(%run_scoped3A : memref<!tpu.dma_semaphore, #tpu.memory_space<semaphore_mem>>)
      %dma_wait3A_90 = arith.constant 0 : i32
      %dma_wait3A_91 = tpu.memref_slice %arg3[%add3A, %dma_wait3A_90] : memref<32x64xf32, #tpu.memory_space<hbm>> -> memref<1x64xf32, #tpu.memory_space<hbm>>
      %dma_wait3A_92 = tpu.memref_squeeze %dma_wait3A_91 : memref<1x64xf32, #tpu.memory_space<hbm>> -> memref<64xf32, #tpu.memory_space<hbm>>
      %dma_wait3A_93 = arith.constant 0 : i32
      %dma_wait3A_94 = tpu.memref_slice %arg3[%add3A, %dma_wait3A_93] : memref<32x64xf32, #tpu.memory_space<hbm>> -> memref<1x64xf32, #tpu.memory_space<hbm>>
      %dma_wait3A_95 = tpu.memref_squeeze %dma_wait3A_94 : memref<1x64xf32, #tpu.memory_space<hbm>> -> memref<64xf32, #tpu.memory_space<hbm>>
      tpu.wait_dma2 semaphore(%run_scoped3A : memref<!tpu.dma_semaphore, #tpu.memory_space<semaphore_mem>>) src(%arg6 : memref<64xf32, #tpu.memory_space<vmem>>) dst(%dma_wait3A_95 : memref<64xf32, #tpu.memory_space<hbm>>)
      tpu.yield
    }) : () -> ()
    return
  }
}

module attributes {stable_mosaic.version = 14 : i64} {
  func.func @_tc_final(%arg0: memref<4x1x64xf32, #tpu.memory_space<vmem>>, %arg1: memref<32x64xf32, #tpu.memory_space<vmem>>, %arg2: memref<1x1xf32, #tpu.memory_space<vmem>>) attributes {dimension_semantics = [], scalar_prefetch = 0 : i64, scratch_operands = 0 : i64, tpu.core_type = #tpu.core_type<tc>} {
    %get3A = arith.constant 0 : index
    %get3A_0 = arith.constant 0 : index
    %get3A_1 = arith.constant 0 : index
    %get3A_2 = vector.load %arg0[%get3A, %get3A_0, %get3A_1] : memref<4x1x64xf32, #tpu.memory_space<vmem>>, vector<4x1x64xf32>
    %reduce_sum3A = arith.constant dense<0.000000e+00> : vector<64xf32>
    %reduce_sum3A_3 = vector.multi_reduction <add>, %get3A_2, %reduce_sum3A [0, 1] : vector<4x1x64xf32> to vector<64xf32>
    %get3A_4 = arith.constant 0 : index
    %get3A_5 = arith.constant 0 : index
    %get3A_6 = vector.load %arg1[%get3A_4, %get3A_5] : memref<32x64xf32, #tpu.memory_space<vmem>>, vector<32x64xf32>
    %reduce_max3A = arith.constant dense<0xFF800000> : vector<64xf32>
    %reduce_max3A_7 = vector.multi_reduction <maximumf>, %get3A_6, %reduce_max3A [0] : vector<32x64xf32> to vector<64xf32>
    %reduce_sum3A_8 = vector.shape_cast %reduce_sum3A_3 : vector<64xf32> to vector<1x64xf32>
    %reduce_sum3A_9 = arith.constant dense<0.000000e+00> : vector<1xf32>
    %reduce_sum3A_10 = vector.multi_reduction <add>, %reduce_sum3A_8, %reduce_sum3A_9 [1] : vector<1x64xf32> to vector<1xf32>
    %reduce_sum3A_11 = vector.shape_cast %reduce_sum3A_10 : vector<1xf32> to vector<1x1xf32>
    %reduce_sum3A_12 = vector.extract %reduce_sum3A_11[0, 0] : f32 from vector<1x1xf32>
    %mul3A = arith.constant 3.05175781E-5 : f32
    %mul3A_13 = arith.mulf %reduce_sum3A_12, %mul3A : f32
    %reduce_sum3A_14 = vector.shape_cast %reduce_max3A_7 : vector<64xf32> to vector<1x64xf32>
    %reduce_sum3A_15 = arith.constant dense<0.000000e+00> : vector<1xf32>
    %reduce_sum3A_16 = vector.multi_reduction <add>, %reduce_sum3A_14, %reduce_sum3A_15 [1] : vector<1x64xf32> to vector<1xf32>
    %reduce_sum3A_17 = vector.shape_cast %reduce_sum3A_16 : vector<1xf32> to vector<1x1xf32>
    %reduce_sum3A_18 = vector.extract %reduce_sum3A_17[0, 0] : f32 from vector<1x1xf32>
    %mul3A_19 = arith.mulf %reduce_sum3A_18, %mul3A_13 : f32
    %broadcast_in_dim3A = vector.broadcast %mul3A_19 : f32 to vector<1x1xf32>
    %swap3A = arith.constant 0 : index
    %swap3A_20 = arith.constant 0 : index
    %swap3A_21 = vector.load %arg2[%swap3A, %swap3A_20] : memref<1x1xf32, #tpu.memory_space<vmem>>, vector<1x1xf32>
    tpu.vector_store %arg2[%swap3A, %swap3A_20], %broadcast_in_dim3A {strides = array<i32>} : memref<1x1xf32, #tpu.memory_space<vmem>>, vector<1x1xf32>,
    return
  }
}

module attributes {stable_mosaic.version = 14 : i64} {
  func.func @_tc_psum(%arg0: i32, %arg1: memref<8192x64xf32, #tpu.memory_space<vmem>>, %arg2: memref<1x1x64xf32, #tpu.memory_space<vmem>>) attributes {dimension_semantics = [#tpu.dimension_semantics<arbitrary>], iteration_bounds = array<i64: 4>, scalar_prefetch = 0 : i64, scratch_operands = 0 : i64, tpu.core_type = #tpu.core_type<tc>, window_params = [{transform_indices = @transform_0, window_bounds = array<i64: 8192, 64>}, {transform_indices = @transform_1, window_bounds = array<i64: 1, 1, 64>}]} {
    %get3A = arith.constant 0 : index
    %get3A_0 = arith.constant 0 : index
    %get3A_1 = vector.load %arg1[%get3A, %get3A_0] : memref<8192x64xf32, #tpu.memory_space<vmem>>, vector<8192x64xf32>
    %reduce_max3A = arith.constant dense<0xFF800000> : vector<8192xf32>
    %reduce_max3A_2 = vector.multi_reduction <maximumf>, %get3A_1, %reduce_max3A [1] : vector<8192x64xf32> to vector<8192xf32>
    %broadcast_in_dim3A = vector.shape_cast %reduce_max3A_2 : vector<8192xf32> to vector<8192x1xf32>
    %sub3A = vector.broadcast %broadcast_in_dim3A : vector<8192x1xf32> to vector<8192x64xf32>
    %sub3A_3 = arith.subf %get3A_1, %sub3A : vector<8192x64xf32>
    %exp3A = math.exp %sub3A_3 : vector<8192x64xf32>
    %reduce_sum3A = arith.constant dense<0.000000e+00> : vector<8192xf32>
    %reduce_sum3A_4 = vector.multi_reduction <add>, %exp3A, %reduce_sum3A [1] : vector<8192x64xf32> to vector<8192xf32>
    %broadcast_in_dim3A_5 = vector.shape_cast %reduce_sum3A_4 : vector<8192xf32> to vector<8192x1xf32>
    %div3A = vector.broadcast %broadcast_in_dim3A_5 : vector<8192x1xf32> to vector<8192x64xf32>
    %div3A_6 = arith.divf %exp3A, %div3A : vector<8192x64xf32>
    %reduce_sum3A_7 = arith.constant dense<0.000000e+00> : vector<64xf32>
    %reduce_sum3A_8 = vector.multi_reduction <add>, %div3A_6, %reduce_sum3A_7 [0] : vector<8192x64xf32> to vector<64xf32>
    %reshape3A = vector.shape_cast %reduce_sum3A_8 : vector<64xf32> to vector<1x1x64xf32>
    %swap3A = arith.constant 0 : index
    %swap3A_9 = arith.constant 0 : index
    %swap3A_10 = arith.constant 0 : index
    %swap3A_11 = vector.load %arg2[%swap3A, %swap3A_9, %swap3A_10] : memref<1x1x64xf32, #tpu.memory_space<vmem>>, vector<1x1x64xf32>
    tpu.vector_store %arg2[%swap3A, %swap3A_9, %swap3A_10], %reshape3A {strides = array<i32>} : memref<1x1x64xf32, #tpu.memory_space<vmem>>, vector<1x1x64xf32>,
    return
  }
  func.func @transform_0(%arg0: i32) -> (i32, i32) {
    %c0_i32 = arith.constant 0 : i32
    %c0_i32_0 = arith.constant 0 : i32
    return %arg0, %c0_i32 : i32, i32
  }
  func.func @transform_1(%arg0: i32) -> (i32, i32, i32) {
    %c0_i32 = arith.constant 0 : i32
    %c0_i32_0 = arith.constant 0 : i32
    %c0_i32_1 = arith.constant 0 : i32
    return %arg0, %c0_i32, %c0_i32_0 : i32, i32, i32
  }
}

</mosaic_0001>

<sc_bundles>
// kernel: kernel.5.cloned.1.call-start
scs
__scs_entry_jumppad:
0x0: {  	(pc) =	sbr.rel $0x88, $3  }
0x1: {  	(tag) =	ssettag $0x0;
	lr =	simm.s32 $0x1  }
0x2: {  	[smem:$0x3FA0] =	sst lr;
	_ =	strace $0xD0000000  }
0x3: {  	_ = 	snop  }
0x4: {  	_ = 	snop  }
0x5: {  	_ = 	snop  }
0x6: {  	_ = 	snop  }
0x7: {  	_ = 	snop  }
__scs_overlays_trampoline_lowered:
0x8: {  	[smem:$0x3FAF] =	sst s0  }
0x9: {  	[smem:$0x3FB0] =	sst s1  }
0xa: {  	[smem:$0x3FB1] =	sst s2  }
0xb: {  	[smem:$0x3FB2] =	sst s3  }
0xc: {  	[smem:$0x3FB3] =	sst s4  }
0xd: {  	[smem:$0x3FB4] =	sst s5  }
0xe: {  	[smem:$0x3FB5] =	sst s6  }
0xf: {  	[smem:$0x3FB6] =	sst s7  }
0x10: {  	[smem:$0x3FB7] =	sst s8  }
0x11: {  	[smem:$0x3FB8] =	sst s9;
	s0 =	simm.s32 @!p0 $0x0  }
0x12: {  	s1 =	sld [smem:$0x3F9E];
	s0 =	simm.s32 @p0 $0x1  }
0x13: {  	[smem:$0x3FB9] =	sst s0;
	s0 =	simm.s32 @!p1 $0x0  }
0x14: {  	s2 =	sld [smem:$0x3F9D];
	s0 =	simm.s32 @p1 $0x1  }
0x15: {  	[smem:$0x3FBA] =	sst s0;
	s0 =	simm.s32 @!p2 $0x0  }
0x16: {  	s3 =	sld [smem:$0x3FDB];
	s0 =	simm.s32 @p2 $0x1  }
0x17: {  	s4 =	simm.s32 $0x1BF5;
	[smem:$0x3FBC] =	sst s0  }
0x18: {  	s0 =	sld [smem:$0x3F9F];
	_ =	swait.ge [sflag:s4], $0x0  }
0x19: {  	s7 =	sld [smem:$0x3FA0]  }
0x1a: {  	s8 =	sadd.s32 $0xFFFFE003, lr  }
0x1b: {  	s9 =	sadd.s32 $0xFFFFFEF7, lr;
	s5 =	simm.s32 $0xFFFFFFFF;
	p2 =	slt.u32 s8, $0xFFFFF086  }
0x1c: {  	p1 =	slt.u32 s9, $0xF7A;
	s5 =	simm.s32 @!p2 $0x0  }
0x1d: {  	s5 =	simm.s32 @p1 $0x1;
	p0 =	seq.s32 s7, s2  }
0x1e: {  	s7 =	smul.u32 @!p0 $0xF7A, s2;
	p2 =	seq.s32 @!p0 s5, $0x0  }
0x1f: {  	s9 =	smul.u32 $0xF7A, s1;
	s8 =	simm.s32 @!p0 $0x1BF5;
	p2 =	por !p2, p0  }
0x20: {  	[sflag:s8] =	ssyncset.s32 @!p0 $0xFFFFF086;
	s6 =	sadd.s32 @!p0 s3, s7;
	s7 =	simm.s32 @!p0 $0x108  }
0x21: {  	s3 =	sadd.s32 s3, s9;
	s6 =	sadd.s32 @!p0 $0x88, s6;
	s7 =	simm.s32 @p2 $0x1082  }
0x22: {  	[simem:s7], [sflag:s8] =	dma.local @!p0 [hbm:s6], $0xF7A  }
0x23: {  	s9 =	sor.u32 $0xD0000000, s2;
	s6 =	simm.s32 $0x108;
	_ =	swait.ge @!p0 [sflag:s8], $0x0  }
0x24: {  	s3 =	sadd.s32 $0x88, s3;
	s6 =	simm.s32 @!p1 $0x1082;
	[sflag:s4] =	ssyncset.s32 $0xFFFFF086  }
0x25: {  	[simem:s6], [sflag:s4] =	dma.local [hbm:s3], $0xF7A  }
0x26: {  	[smem:$0x3FA0] =	sst s1;
	(tag) =	ssettag s2;
	_ =	strace s9  }
0x27: {  	s1 =	sld [smem:$0x3FB0]  }
0x28: {  	s2 =	sld [smem:$0x3FB1]  }
0x29: {  	s4 =	sld [smem:$0x3FB3]  }
0x2a: {  	p0 =	seq.s32 s5, $0x0;
	s5 =	sld [smem:$0x3FB4]  }
0x2b: {  	s6 =	sld [smem:$0x3FB5]  }
0x2c: {  	s7 =	sld [smem:$0x3FB6]  }
0x2d: {  	s3 =	simm.s32 $0x108;
	s8 =	sld [smem:$0x3FB7]  }
0x2e: {  	s3 =	simm.s32 @!p0 $0x1082;
	s9 =	sld [smem:$0x3FB8]  }
0x2f: {  	lr =	sadd.s32 s0, s3;
	s0 =	sld [smem:$0x3FAF]  }
0x30: {  	s3 =	sld [smem:$0x3FB2]  }
0x31: {  	[smem:$0x3FBB] =	sst s10  }
0x32: {  	s10 =	sld [smem:$0x3FB9];
	_ =	sdelay $0x3  }
0x33: {  	p0 =	seq.s32 s10, $0x1;
	s10 =	sld [smem:$0x3FBB];
	_ =	sdelay $0x3  }
0x34: {  	[smem:$0x3FBB] =	sst s10  }
0x35: {  	s10 =	sld [smem:$0x3FBA];
	_ =	sdelay $0x3  }
0x36: {  	p1 =	seq.s32 s10, $0x1;
	s10 =	sld [smem:$0x3FBB];
	_ =	sdelay $0x3  }
0x37: {  	[smem:$0x3FBB] =	sst s10  }
0x38: {  	s10 =	sld [smem:$0x3FBC]  }
0x39: {  	_ = 	snop;
	(pc) =	sbr.ind lr, $3  }
0x3a: {  	_ = 	snop  }
0x3b: {  	_ = 	snop  }
0x3c: {  	p2 =	seq.s32 s10, $0x1;
	s10 =	sld [smem:$0x3FBB]  }
0x3d: {  	_ =	shalt  }
0x3e: {  	_ =	shalt  }
0x3f: {  	_ =	shalt  }
0x40: {  	_ =	shalt  }
0x41: {  	_ =	shalt  }
0x42: {  	_ =	shalt  }
0x43: {  	_ =	shalt  }
0x44: {  	_ =	shalt  }
0x45: {  	_ =	shalt  }
0x46: {  	_ =	shalt  }
0x47: {  	_ =	shalt  }
0x48: {  	_ =	shalt  }
0x49: {  	_ =	shalt  }
0x4a: {  	_ =	shalt  }
0x4b: {  	_ =	shalt  }
0x4c: {  	_ =	shalt  }
0x4d: {  	_ =	shalt  }
0x4e: {  	_ =	shalt  }
0x4f: {  	_ =	shalt  }
0x50: {  	_ =	shalt  }
0x51: {  	_ =	shalt  }
0x52: {  	_ =	shalt  }
0x53: {  	_ =	shalt  }
0x54: {  	_ =	shalt  }
0x55: {  	_ =	shalt  }
0x56: {  	_ =	shalt  }
0x57: {  	_ =	shalt  }
0x58: {  	_ =	shalt  }
0x59: {  	_ =	shalt  }
0x5a: {  	_ =	shalt  }
0x5b: {  	_ =	shalt  }
0x5c: {  	_ =	shalt  }
0x5d: {  	_ =	shalt  }
0x5e: {  	_ =	shalt  }
0x5f: {  	_ =	shalt  }
0x60: {  	_ =	shalt  }
0x61: {  	_ =	shalt  }
0x62: {  	_ =	shalt  }
0x63: {  	_ =	shalt  }
0x64: {  	_ =	shalt  }
0x65: {  	_ =	shalt  }
0x66: {  	_ =	shalt  }
0x67: {  	_ =	shalt  }
0x68: {  	_ =	shalt  }
0x69: {  	_ =	shalt  }
0x6a: {  	_ =	shalt  }
0x6b: {  	_ =	shalt  }
0x6c: {  	_ =	shalt  }
0x6d: {  	_ =	shalt  }
0x6e: {  	_ =	shalt  }
0x6f: {  	_ =	shalt  }
0x70: {  	_ =	shalt  }
0x71: {  	_ =	shalt  }
0x72: {  	_ =	shalt  }
0x73: {  	_ =	shalt  }
0x74: {  	_ =	shalt  }
0x75: {  	_ =	shalt  }
0x76: {  	_ =	shalt  }
0x77: {  	_ =	shalt  }
0x78: {  	_ =	shalt  }
0x79: {  	_ =	shalt  }
0x7a: {  	_ =	shalt  }
0x7b: {  	_ =	shalt  }
0x7c: {  	_ =	shalt  }
0x7d: {  	_ =	shalt  }
0x7e: {  	_ =	shalt  }
0x7f: {  	_ =	shalt  }
0x80: {  	_ =	shalt  }
0x81: {  	_ =	shalt  }
0x82: {  	_ =	shalt  }
0x83: {  	_ =	shalt  }
0x84: {  	_ =	shalt  }
0x85: {  	_ =	shalt  }
0x86: {  	_ =	shalt  }
0x87: {  	_ =	shalt  }
.Lfunc_end0:
.L_simem_size_0:
called_computation_lowered:
.L_overlay_start_0:
0x88: {  	s2 =	sld [smem:$0x3FD9]  }
0x89: {  	s3 =	sld [smem:$0x3FFE];
	_ =	sdelay $0x1  }
0x8a: {  	s1 =	srdreg.scid  }
0x8b: {  	s0 =	sand.u32 $0x1, s1  }
0x8c: {  	s16 =	sshll.u32 s0, $0xA;
	s2 =	sadd.s32 s3, s2  }
0x8d: {  	s2 =	sadd.s32 s2, s16  }
0x8e: {  	[smem:$0x3FC7] =	sst s2  }
0x8f: {  	_ = 	snop  }
0x90: {  	(tm) =	ssettm $0x1  }
0x91: {  	s17 =	sld [smem:$0x3FFB];
	_ =	sdelay $0x3  }
0x92: {  	_ =	strace s17  }
0x93: {  	s2 =	sld [smem:$0x3FFC];
	_ =	sdelay $0x3  }
0x94: {  	_ =	strace s2  }
0x95: {  	s2 =	sld [smem:$0x3FFD];
	_ =	sdelay $0x3  }
0x96: {  	_ =	strace s2  }
0x97: {  	_ =	strace $0x8FFFFFFF  }
0x98: {  	s18 =	sld [smem:$0x3FDB];
	_ =	sdelay $0x1  }
0x99: {  	s19 =	simm.s32 $_scs_section_size  }
0x9a: {  	s4 =	simm.s32 $_size__tile_overlayer_lowered;
	s5 =	simm.s32 $_tile_overlayer_lowered  }
0x9b: {  	s22 =	simm.s32 $0x1BFF;
	s21 =	sshll.u32 s5, $0x1;
	s2 =	sadd.s32 s19, s18  }
0x9c: {  	s6 =	simm.s32 $0x0;
	s20 =	sshll.u32 s4, $0x1;
	s4 =	sadd.s32 s21, s2  }
0x9d: {  	[timem:s6], [sflag:s22] =	dma.local [hbm:s4], s20  }
0x9e: {  	_ =	swait.ge [sflag:s22], s20  }
0x9f: {  	s3 =	ssub.s32 $0x0, s20;
	[sflag:s22] =	ssyncset.done $0x0  }
0xa0: {  	[sflag:s22] =	ssyncadd.s32 s3;
	_ =	sdelay $0x1  }
0xa1: {  	s23 =	simm.s32 $0x1B8B  }
0xa2: {  	_ =	swait.ge [sflag:s23], $0x1  }
0xa3: {  	[sflag:s23] =	ssyncset.done $0x0  }
0xa4: {  	s25 =	simm.s32 $0x1B8E;
	s24 =	sld [smem:$0x3FFE];
	[sflag:s23] =	ssyncadd.s32 $0xFFFFFFFF  }
0xa5: {  	s26 =	simm.s32 $execute0_lowered;
	[smem:$0x3FD2] =	sst s25  }
0xa6: {  	s4 =	sshll.u32 s26, $0x1;
	_ =	strace $0x80000046;
	[dreg:$0x1] =	wrdreg $0xFFFFFFFF  }
0xa7: {  	s28 =	simm.s32 $_size_execute0_lowered;
	s2 =	sadd.s32 s2, s4;
	[dreg:$0x0] =	wrdreg $0x0  }
0xa8: {  	s4 =	sshll.u32 s28, $0x1;
	[dreg:$0x2] =	wrdreg s2  }
0xa9: {  	[dreg:$0x3] =	wrdreg s4  }
0xaa: {  	[dreg:$0x4] =	wrdreg $0xC0  }
0xab: {  	_ =	task [dreg:s6], $0x5FFFF  }
0xac: {  	[dreg:$0x1] =	wrdreg $0xFFFFFFFF  }
0xad: {  	[dreg:$0x0] =	wrdreg $0x60  }
0xae: {  	[dreg:$0x2] =	wrdreg s24  }
0xaf: {  	[dreg:$0x3] =	wrdreg $0x9  }
0xb0: {  	_ =	task.clear_ibuf [dreg:s6], $0x4FFFF;
	_ =	strace $0x90000046  }
0xb1: {  	s29 =	simm.s32 $0x9;
	_ =	strace $0x80000048  }
0xb2: {  	_ =	swait.ge [sflag:s29], $0x1  }
0xb3: {  	[sflag:s29] =	ssyncadd.s32 $0xFFFFFFFF  }
0xb4: {  	_ =	strace $0x90000048  }
0xb5: {  	_ =	sfence  }
0xb6: {  	s30 =	sld [smem:$0x0];
	_ =	sdelay $0x2  }
0xb7: {  	s31 =	sshll.u32 s1, $0xD;
	s1 =	sshrl.u32 s1, $0x2  }
0xb8: {  	s3 =	sand.u32 $0x4000, s31;
	s1 =	sadd.s32 s1, s30  }
0xb9: {  	s0 =	sor.u32 s3, s0;
	s1 =	sshll.u32 s1, $0x11  }
0xba: {  	s0 =	sor.u32 s1, s0  }
0xbb: {  	s0 =	sadd.s32 $0x8F2B, s0  }
0xbc: {  	[sflag:s0] =	ssyncadd.remote.s32 $0x1  }
0xbd: {  	_ =	sfence.sel $0xFFFF  }
0xbe: {  	[dreg:$0x0] =	wrdreg $0xFFFFFFFF;
	(pc) =	sbr.abs _section_cstart, $3  }
0xbf: {  	[dreg:$0x1] =	wrdreg $0xFFFFFFFF  }
0xc0: {  	_ =	task.clear_ibuf [dreg:s6], $0x2FFFF;
	_ =	strace $0x9FFFFFFF  }
0xc1: {  	(tm) =	ssettm $0x7FFFFFFF  }
tec
execute0_lowered:
.L_overlay_start_1:
0x0: {  	(tag) =	ssettag $0x1  }
0x1: {  	s3 =	rddreg [dreg:$0x0]  }
0x2: {  	s0 =	rddreg [dreg:$0x1]  }
0x3: {  	s2 =	simm.s32 $0x0;
	s4 =	srdreg.scid;
	s1 =	stileid.u32  }
0x4: {  	s10 =	simm.s32 $0x1;
	s11 =	simm.s32 $0x2;
	s12 =	simm.s32 $0x10000  }
0x5: {  	s13 =	simm.s32 $0x3;
	s4 =	sand.u32 $0x1, s4;
	s5 =	sshll.u32 s1, $0x1  }
0x6: {  	s14 =	simm.s32 $0x0;
	[smem:$0x7FF] =	sst s2;
	s5 =	sor.u32 s4, s5  }
0x7: {  	_ =	strace $0x80000047;
	s4 =	ssub.s32 $0x2, s4;
	s6 =	sshll.u32 s5, $0xE  }
0x8: {  	s5 =	sshll.u32 s5, $0x4;
	s7 =	sshrl.u32 s4, $0x1;
	s6 =	sadd.s32 s6, s3  }
0x9: {  	s8 =	sadd.s32 s5, s3;
	s9 =	ssub.s32 s4, s7;
	s3 =	sadd.s32 $0x800, s6  }
0xa: {  	s4 =	sadd.s32 $0x1800, s6;
	s5 =	sadd.s32 $0x2800, s6;
	s6 =	sadd.s32 $0x3800, s6  }
0xb: {  	vm0 =	vmmov $0xff;
	s7 =	sadd.s32 $0x80800, s8;
	s8 =	smax.u32 s9, $0x1;
	s9 =	simm.s32 $0x8000  }
.LBB2_1:
0xc: {  	[tilespmem:s2], [sflag:$0x1] =	stream.linear.gather [hbm4b:s3+s2], $0x8000, $0x38;
	[tilespmem:$0x10080] =	vst v63  }
0xd: {  	_ = 	snop  }
0xe: {  	[tilespmem:s9], [sflag:$0x2] =	stream.linear.gather [hbm4b:s4+s2], $0x8000, $0x38;
	[tilespmem:$0x10080] =	vst v63  }
0xf: {  	_ =	swait.ge [sflag:s10], $0x8000  }
0x10: {  	[sflag:s10] =	ssyncset.done $0x0  }
0x11: {  	s15 =	simm.s32 $0x100;
	[sflag:s10] =	ssyncadd.s32 $0xFFFF8000  }
0x12: {  	v0 =	vld [tilespmem:s15+$0x90]  }
0x13: {  	v6 =	vld [tilespmem:s15+$0xFFFFFF30]  }
0x14: {  	v13 =	vld [tilespmem:s15+$0x30]  }
0x15: {  	v46 =	vld [tilespmem:s15+$0xFFFFFFA0]  }
0x16: {  	v12 =	vld [tilespmem:s15+$0xFFFFFF20]  }
0x17: {  	v33 =	vld [tilespmem:s15+$0xFFFFFFB0];
	[tilespmem:$0x1FF70] =	vst v0;
	(xrf1) =	vsort.ascd.msk.f32 $0xffff, v0, v0  }
0x18: {  	(xrf1) =	vsort.ascd.msk.f32 $0xffff, v6, v6;
	v15 =	vld [tilespmem:s15+$0xFFFFFF80]  }
0x19: {  	v26 =	vld [tilespmem:s15+$0xFFFFFF90];
	(xrf1) =	vsort.ascd.msk.f32 $0xffff, v13, v13  }
0x1a: {  	v16 =	vld [tilespmem:s15+$0x80];
	(xrf1) =	vsort.dscd.msk.f32 $0xffff, v46, v46  }
0x1b: {  	v40 =	vld [tilespmem:s15+$0xA0];
	(xrf1) =	vsort.dscd.msk.f32 $0xffff, v12, v12  }
0x1c: {  	v42 =	vld [tilespmem:s15+$0xFFFFFF10];
	(xrf1) =	vsort.ascd.msk.f32 $0xffff, v33, v33  }
0x1d: {  	v43 =	vld [tilespmem:s15+$0x10];
	(xrf1) =	vsort.dscd.msk.f32 $0xffff, v15, v15  }
0x1e: {  	v1 =	vld [tilespmem:s15+$0xFFFFFF00];
	(xrf1) =	vsort.ascd.msk.f32 $0xffff, v26, v26  }
0x1f: {  	v35 =	vld [tilespmem:s15+$0x0];
	(xrf1) =	vsort.dscd.msk.f32 $0xffff, v16, v16  }
0x20: {  	(xrf1) =	vsort.dscd.msk.f32 $0xffff, v40, v40  }
0x21: {  	(xrf1) =	vsort.ascd.msk.f32 $0xffff, v42, v42  }
0x22: {  	(xrf1) =	vsort.ascd.msk.f32 $0xffff, v43, v43  }
0x23: {  	v47 =	vld [tilespmem:s15+$0x20];
	(xrf1) =	vsort.dscd.msk.f32 $0xffff, v1, v1  }
0x24: {  	v23 =	vld [tilespmem:s15+$0xB0];
	(xrf1) =	vsort.dscd.msk.f32 $0xffff, v35, v35  }
0x25: {  	s31 =	simm.s32 $0x300;
	v0, _, _ =	vpop (xrf1)  }
0x26: {  	v2 =	vld [tilespmem:s31+$0x90];
	v3, _, _ =	vpop (xrf1)  }
0x27: {  	v20 =	vld [tilespmem:s31+$0xFFFFFF30];
	v7, _, _ =	vpop (xrf1)  }
0x28: {  	v5 =	vld [tilespmem:s31+$0x30];
	(xrf1) =	vsort.dscd.msk.f32 $0xffff, v47, v47;
	v9, _, _ =	vpop (xrf1)  }
0x29: {  	(xrf1) =	vsort.ascd.msk.f32 $0xffff, v23, v23;
	v10, _, _ =	vpop (xrf1)  }
0x2a: {  	v8 =	vld [tilespmem:s31+$0xFFFFFFA0];
	v11, _, _ =	vpop (xrf1)  }
0x2b: {  	[tilespmem:$0x1FF80] =	vst v2;
	(xrf1) =	vsort.ascd.msk.f32 $0xffff, v2, v2;
	v14, _, _ =	vpop (xrf1);
	v9 =	vsel vm0, v9, v11  }
0x2c: {  	v19 =	vld [tilespmem:s31+$0xFFFFFF20];
	(xrf1) =	vsort.ascd.msk.f32 $0xffff, v20, v20;
	v18, _, _ =	vpop (xrf1)  }
0x2d: {  	[tilespmem:$0x1FF90] =	vst v5;
	(xrf1) =	vsort.ascd.msk.f32 $0xffff, v5, v5;
	v11, _, _ =	vpop (xrf1);
	v14 =	vsel vm0, v14, v18  }
0x2e: {  	v2 =	vld [tilespmem:s31+$0xFFFFFFB0];
	(xrf1) =	vsort.ascd.msk.f32 $0xffff, v9, v9;
	v9, _, _ =	vpop (xrf1)  }
0x2f: {  	v3 =	vsel vm0, v10, v3;
	(xrf1) =	vsort.dscd.msk.f32 $0xffff, v8, v8;
	v18, _, _ =	vpop (xrf1)  }
0x30: {  	[tilespmem:$0x1FFA0] =	vst v8;
	(xrf1) =	vsort.dscd.msk.f32 $0xffff, v14, v14;
	v14, _, _ =	vpop (xrf1)  }
0x31: {  	v28 =	vld [tilespmem:s31+$0xFFFFFF80];
	(xrf1) =	vsort.dscd.msk.f32 $0xffff, v19, v19;
	v10, _, _ =	vpop (xrf1)  }
0x32: {  	v22 =	vld [tilespmem:s31+$0xFFFFFF90];
	(xrf1) =	vsort.ascd.msk.f32 $0xffff, v3, v3;
	v3, _, _ =	vpop (xrf1)  }
0x33: {  	(xrf1) =	vsort.ascd.msk.f32 $0xffff, v2, v2;
	v3 =	vsel vm0, v3, v14  }
0x34: {  	v10 =	vsel vm0, v10, v18;
	(xrf1) =	vsort.dscd.msk.f32 $0xffff, v3, v3  }
0x35: {  	v30 =	vmov v2;
	v2 =	vld [tilespmem:s31+$0x80];
	(xrf1) =	vsort.dscd.msk.f32 $0xffff, v10, v10  }
0x36: {  	v3, _, _ =	vpop (xrf1);
	(xrf1) =	vsort.dscd.msk.f32 $0xffff, v28, v28  }
0x37: {  	v5 =	vld [tilespmem:s31+$0xA0];
	v10, _, _ =	vpop (xrf1);
	(xrf1) =	vsort.ascd.msk.f32 $0xffff, v22, v22;
	v3 =	vsel vm0, v3, v7  }
0x38: {  	v37 =	vld [tilespmem:s31+$0xFFFFFF10];
	v7 =	vsel vm0, v9, v10;
	(xrf1) =	vsort.ascd.msk.f32 $0xffff, v3, v3  }
0x39: {  	v4 =	vld [tilespmem:s31+$0x10];
	v0 =	vsel vm0, v11, v0;
	v9, _, _ =	vpop (xrf1);
	(xrf1) =	vsort.ascd.msk.f32 $0xffff, v7, v7  }
0x3a: {  	v38 =	vld [tilespmem:s31+$0xFFFFFF00];
	[tilespmem:$0x1FFB0] =	vst v2;
	v3, _, _ =	vpop (xrf1);
	(xrf1) =	vsort.dscd.msk.f32 $0xffff, v2, v2  }
0x3b: {  	v31 =	vld [tilespmem:s31+$0x0];
	v7, _, _ =	vpop (xrf1);
	(xrf1) =	vsort.dscd.msk.f32 $0xffff, v0, v0  }
0x3c: {  	v36 =	vld [tilespmem:s31+$0x20];
	v0, _, _ =	vpop (xrf1);
	(xrf1) =	vsort.dscd.msk.f32 $0xffff, v5, v5  }
0x3d: {  	v8 =	vld [tilespmem:s31+$0xB0];
	v10, _, _ =	vpop (xrf1);
	(xrf1) =	vsort.ascd.msk.f32 $0xffff, v37, v37  }
0x3e: {  	s16 =	simm.s32 $0x500;
	v14, _, _ =	vpop (xrf1);
	(xrf1) =	vsort.ascd.msk.f32 $0xffff, v4, v4  }
0x3f: {  	v2 =	vld [tilespmem:s16+$0x90];
	v29, _, _ =	vpop (xrf1);
	(xrf1) =	vsort.dscd.msk.f32 $0xffff, v38, v38  }
0x40: {  	v11 =	vld [tilespmem:s16+$0xFFFFFF30];
	v27, _, _ =	vpop (xrf1);
	(xrf1) =	vsort.dscd.msk.f32 $0xffff, v31, v31  }
0x41: {  	v0 =	vsel vm0, v14, v0;
	v32, _, _ =	vpop (xrf1);
	(xrf1) =	vsort.dscd.msk.f32 $0xffff, v36, v36  }
0x42: {  	v21 =	vmov v5;
	v5 =	vld [tilespmem:s16+$0x30];
	(xrf1) =	vsort.ascd.msk.f32 $0xffff, v8, v8;
	v14, _, _ =	vpop (xrf1)  }
0x43: {  	v34, _, _ =	vpop (xrf1);
	(xrf1) =	vsort.ascd.msk.f32 $0xffff, v0, v0  }
0x44: {  	v25 =	vmov v8;
	v8 =	vld [tilespmem:s16+$0xFFFFFFA0];
	(xrf1) =	vsort.ascd.msk.f32 $0xffff, v2, v2;
	v0, _, _ =	vpop (xrf1)  }
0x45: {  	v27 =	vsel vm0, v34, v27;
	(xrf1) =	vsort.ascd.msk.f32 $0xffff, v11, v11;
	v59, _, _ =	vpop (xrf1)  }
0x46: {  	[tilespmem:$0x1FFC0] =	vst v2;
	v10 =	vsel vm0, v10, v32;
	(xrf1) =	vsort.ascd.msk.f32 $0xffff, v27, v27;
	v45, _, _ =	vpop (xrf1)  }
0x47: {  	v39 =	vld [tilespmem:s16+$0xFFFFFF20];
	v0 =	vsel vm0, v0, v59;
	(xrf1) =	vsort.ascd.msk.f32 $0xffff, v5, v5;
	v60, _, _ =	vpop (xrf1)  }
0x48: {  	[tilespmem:$0x1FFD0] =	vst v5;
	(xrf1) =	vsort.ascd.msk.f32 $0xffff, v10, v10;
	v48, _, _ =	vpop (xrf1)  }
0x49: {  	v2 =	vld [tilespmem:s16+$0xFFFFFFB0];
	(xrf1) =	vsort.dscd.msk.f32 $0xffff, v8, v8;
	v10, _, _ =	vpop (xrf1)  }
0x4a: {  	(xrf1) =	vsort.dscd.msk.f32 $0xffff, v0, v0;
	v0, _, _ =	vpop (xrf1);
	v10 =	vsel vm0, v10, v60  }
0x4b: {  	v61, _, _ =	vpop (xrf1);
	(xrf1) =	vsort.ascd.msk.f32 $0xffff, v10, v10  }
0x4c: {  	v3 =	vsel vm0, v29, v3;
	(xrf1) =	vsort.dscd.msk.f32 $0xffff, v39, v39  }
0x4d: {  	[tilespmem:$0x1FFE0] =	vst v8;
	v10, _, _ =	vpop (xrf1);
	(xrf1) =	vsort.ascd.msk.f32 $0xffff, v3, v3  }
0x4e: {  	v44 =	vld [tilespmem:s16+$0xFFFFFF80];
	v3 =	vsel vm0, v14, v45;
	v29, _, _ =	vpop (xrf1);
	(xrf1) =	vsort.ascd.msk.f32 $0xffff, v2, v2  }
0x4f: {  	v41 =	vld [tilespmem:s16+$0xFFFFFF90];
	v14, _, _ =	vpop (xrf1);
	(xrf1) =	vsort.ascd.msk.f32 $0xffff, v3, v3;
	v3 =	vsel vm0, v29, v61  }
0x50: {  	v10 =	vsel vm0, v14, v10;
	v62, _, _ =	vpop (xrf1)  }
0x51: {  	[tilespmem:$0x1FFF0] =	vst v2;
	(xrf1) =	vsort.dscd.msk.f32 $0xffff, v10, v10;
	v63, _, _ =	vpop (xrf1)  }
0x52: {  	v29 =	vld [tilespmem:s16+$0x80];
	v7 =	vsel vm0, v62, v7;
	(xrf1) =	vsort.dscd.msk.f32 $0xffff, v3, v3;
	v3, _, _ =	vpop (xrf1)  }
0x53: {  	v45 =	vld [tilespmem:s16+$0xFFFFFF10];
	(xrf1) =	vsort.dscd.msk.f32 $0xffff, v44, v44;
	v49, _, _ =	vpop (xrf1)  }
0x54: {  	v2 =	vimm.s32 $0x8;
	v14 =	vld [tilespmem:s16+$0xA0];
	v10, _, _ =	vpop (xrf1);
	(xrf1) =	vsort.ascd.msk.f32 $0xffff, v41, v41  }
0x55: {  	v53 =	vimm.f32 $-Inf;
	v32 =	vsel vm0, v0, v63;
	v0 =	vld [tilespmem:s16+$0x10];
	v34 =	vperm.xlane v3, v2;
	(xrf1) =	vsort.ascd.msk.f32 $0xffff, v7, v7;
	v7, _, _ =	vpop (xrf1)  }
0x56: {  	v57 =	vimm.f32 $-Inf;
	v9 =	vsel vm0, v48, v9;
	v3, _, _ =	vpop (xrf1);
	(xrf1) =	vsort.ascd.msk.f32 $0xffff, v32, v32;
	v32 =	vperm.xlane v7, v2  }
0x57: {  	v24 =	vmov v4;
	v58 =	vsub.f32 v46, v34;
	v46 =	vld [tilespmem:s16+$0xFFFFFF00];
	v56 =	vsub.f32 v33, v34;
	(xrf1) =	vsort.dscd.msk.f32 $0xffff, v29, v29;
	v48, _, _ =	vpop (xrf1)  }
0x58: {  	v59 =	vimm.f32 $-Inf;
	v33 =	vld [tilespmem:s16+$0x0];
	v55 =	vsub.f32 v26, v34;
	v7, _, _ =	vpop (xrf1);
	(xrf1) =	vsort.dscd.msk.f32 $0xffff, v9, v9;
	v60 =	vsub.f32 v1, v32  }
0x59: {  	v61 =	vimm.f32 $-Inf;
	v51 =	vsub.f32 v12, v32;
	v62 =	vsub.f32 v42, v32;
	v42 =	vld [tilespmem:s16+$0x20];
	(xrf1) =	vsort.dscd.msk.f32 $0xffff, v14, v14;
	v1, _, _ =	vpop (xrf1)  }
0x5a: {  	s15 =	simm.s32 $0x8;
	v54 =	vsub.f32 v6, v32;
	v9 =	vsel vm0, v1, v48;
	v48 =	vld [tilespmem:s16+$0xB0];
	s16 =	simm.s32 $0x700;
	(xrf1) =	vsort.ascd.msk.f32 $0xffff, v45, v45;
	v63, _, _ =	vpop (xrf1);
	v32 =	vmov v0  }
.LBB2_2:
0x5b: {  	_ = 	snop  }
0x5c: {  	v5, _, _ =	vpop (xrf1);
	(xrf1) =	vsort.ascd.msk.f32 $0xffff, v0, v32;
	v1 =	vmov v38;
	v38 =	vmov v46  }
0x5d: {  	v17 =	vmov v39;
	v39, _, _ =	vpop (xrf1);
	(xrf1) =	vsort.dscd.msk.f32 $0xffff, v38, v46  }
0x5e: {  	v52 =	vmax.f32 v59, v60;
	v8 =	vsub.f32 v15, v34;
	v34, _, _ =	vpop (xrf1);
	(xrf1) =	vsort.dscd.msk.f32 $0xffff, v33, v33  }
0x5f: {  	v15 =	vmovc v28;
	v4 =	vmov v25;
	v28 =	vmov v20;
	v20 =	vimm.s32 $0x8;
	(xrf1) =	vsort.dscd.msk.f32 $0xffff, v42, v42  }
0x60: {  	v27 =	vld [tilespmem:$0x1FF80];
	v59 =	vmax.f32 v61, v54;
	v61, _, _ =	vpop (xrf1);
	v25 =	vmov v48;
	(xrf1) =	vsort.ascd.msk.f32 $0xffff, v48, v48;
	v48 =	vperm.xlane v63, v20  }
0x61: {  	v32 =	vmax.f32 v53, v51;
	v53 =	vld [tilespmem:s16+$0x90]  }
0x62: {  	v18 =	vsub.f32 v16, v48;
	v16 =	vld [tilespmem:$0x1FFB0]  }
0x63: {  	v6 =	vmov v11;
	v11 =	vld [tilespmem:s16+$0xFFFFFF30]  }
0x64: {  	v50 =	vmov v22;
	v22 =	vmov v44;
	v44, _, _ =	vpop (xrf1);
	v61 =	vperm.xlane v61, v20  }
0x65: {  	v26 =	vmov v19;
	v19 =	vmov v41;
	v2 =	vld [tilespmem:s16+$0x30];
	v46, _, _ =	vpop (xrf1)  }
0x66: {  	v7 =	vsel vm0, v7, v34;
	v27 =	vmov v27;
	v34, _, _ =	vpop (xrf1);
	v63 =	vsub.f32 v35, v61;
	(xrf1) =	vsort.ascd.msk.f32 $0xffff, v9, v9  }
0x67: {  	v60 =	vld [tilespmem:s16+$0xFFFFFFA0];
	v35 =	vmovc v31;
	v31 =	vmov v13;
	(xrf1) =	vsort.ascd.msk.f32 $0xffff, v53, v53;
	v13 =	vmov v16;
	v16 =	vmov v29  }
0x68: {  	v41 =	vsel vm0, v46, v39;
	v9 =	vmax.f32 v57, v62;
	v57, _, _ =	vpop (xrf1);
	(xrf1) =	vsort.ascd.msk.f32 $0xffff, v11, v11;
	[tilespmem:$0x1FFB0] =	vst v16;
	v16 =	vld [tilespmem:$0x1FF70]  }
0x69: {  	v34 =	vsel vm0, v34, v57;
	v57, _, _ =	vpop (xrf1);
	(xrf1) =	vsort.ascd.msk.f32 $0xffff, v41, v41;
	[tilespmem:$0x1FF70] =	vst v27;
	v27 =	vld [tilespmem:$0x1FFC0]  }
0x6a: {  	v5 =	vsel vm0, v5, v10;
	v39 =	vld [tilespmem:s16+$0xFFFFFF20];
	v47 =	vsub.f32 v47, v61;
	v10, _, _ =	vpop (xrf1);
	(xrf1) =	vsort.ascd.msk.f32 $0xffff, v2, v2  }
0x6b: {  	v58 =	vmax.f32 v32, v58;
	v43 =	vsub.f32 v43, v61;
	(xrf1) =	vsort.ascd.msk.f32 $0xffff, v7, v7;
	v7, _, _ =	vpop (xrf1)  }
0x6c: {  	v54 =	vmov v49;
	v47 =	vmax.f32 v58, v47;
	v61 =	vsub.f32 v31, v61;
	(xrf1) =	vsort.dscd.msk.f32 $0xffff, v60, v60;
	v29, _, _ =	vpop (xrf1)  }
0x6d: {  	v49 =	vmov v23;
	v40 =	vsub.f32 v40, v48;
	(xrf1) =	vsort.dscd.msk.f32 $0xffff, v34, v34;
	v34, _, _ =	vpop (xrf1);
	v10 =	vsel vm0, v29, v10  }
0x6e: {  	v58 =	vsub.f32 v16, v48;
	v16 =	vmov v13;
	v13 =	vmov v27;
	v27, _, _ =	vpop (xrf1);
	(xrf1) =	vsort.ascd.msk.f32 $0xffff, v10, v10  }
0x6f: {  	v62 =	vld [tilespmem:s16+$0xFFFFFFB0];
	v10 =	vmax.f32 v59, v56;
	v48 =	vsub.f32 v49, v48;
	(xrf1) =	vsort.dscd.msk.f32 $0xffff, v39, v39;
	v56, _, _ =	vpop (xrf1)  }
0x70: {  	v49, _, _ =	vpop (xrf1);
	(xrf1) =	vsort.ascd.msk.f32 $0xffff, v5, v5;
	v5 =	vmax.f32 v9, v55;
	v9 =	vmax.f32 v10, v61;
	v10 =	vld [tilespmem:$0x1FF90]  }
0x71: {  	v61 =	vmax.f32 v9, v48;
	v9 =	vld [tilespmem:$0x1FFD0];
	_ =	sdelay $0x2  }
0x72: {  	v23 =	vmov v33;
	v57 =	vsel vm0, v44, v57;
	v44 =	vld [tilespmem:s16+$0xFFFFFF80]  }
0x73: {  	v41 =	vld [tilespmem:s16+$0xFFFFFF90];
	[tilespmem:$0x1FF80] =	vst v13;
	(xrf1) =	vsort.ascd.msk.f32 $0xffff, v62, v62;
	v13 =	vmov v10;
	v10 =	vsel vm0, v49, v27;
	v27, _, _ =	vpop (xrf1)  }
0x74: {  	v31 =	vmov v23;
	v55 =	vmov v9;
	v9 =	vsel vm0, v27, v56;
	v27, _, _ =	vpop (xrf1);
	(xrf1) =	vsort.ascd.msk.f32 $0xffff, v57, v57  }
0x75: {  	v23 =	vmov v4;
	v4 =	vmov v53;
	v59 =	vmov v2;
	(xrf1) =	vsort.dscd.msk.f32 $0xffff, v9, v9;
	v2, _, _ =	vpop (xrf1)  }
0x76: {  	v51 =	vld [tilespmem:s16+$0x80];
	[tilespmem:$0x1FFC0] =	vst v4;
	v4 =	vmax.f32 v5, v43;
	(xrf1) =	vsort.dscd.msk.f32 $0xffff, v10, v10;
	v5, _, _ =	vpop (xrf1)  }
0x77: {  	v57 =	vmax.f32 v4, v58;
	v4 =	vld [tilespmem:$0x1FFE0];
	(xrf1) =	vsort.dscd.msk.f32 $0xffff, v44, v44;
	v49, _, _ =	vpop (xrf1)  }
0x78: {  	v3 =	vsel vm0, v27, v3;
	v2 =	vsel vm0, v34, v2;
	v10, _, _ =	vpop (xrf1);
	(xrf1) =	vsort.ascd.msk.f32 $0xffff, v41, v41  }
0x79: {  	v34 =	vperm.xlane v5, v20;
	v5 =	vmax.f32 v52, v8;
	(xrf1) =	vsort.ascd.msk.f32 $0xffff, v3, v3;
	v3 =	vld [tilespmem:$0x1FFA0]  }
0x7a: {  	v32 =	vld [tilespmem:s16+$0x10];
	v53 =	vmax.f32 v47, v40;
	v5 =	vmax.f32 v5, v63  }
0x7b: {  	v12 =	vmovc v45;
	v47 =	vmov v36;
	[tilespmem:$0x1FFD0] =	vst v59;
	v59 =	vmax.f32 v5, v18;
	v5 =	vsel vm0, v7, v54;
	v7 =	vld [tilespmem:$0x1FFF0]  }
0x7c: {  	v36 =	vmovc v42;
	v40 =	vmovc v21;
	v21 =	vmov v14;
	v29 =	vmov v51;
	v4 =	vmov v4  }
0x7d: {  	s15 =	sadd.s32 $0x4, s15;
	v14 =	vld [tilespmem:s16+$0xA0];
	v43 =	vmov v24;
	v24 =	vmov v0;
	[tilespmem:$0x1FF90] =	vst v55;
	v9 =	vmov v60;
	v8, _, _ =	vpop (xrf1)  }
0x7e: {  	v45 =	vld [tilespmem:s16+$0xFFFFFF10];
	p0 =	slt.u32 s15, $0xFC;
	[tilespmem:$0x1FFE0] =	vst v9;
	v58 =	vsub.f32 v3, v34;
	v3, _, _ =	vpop (xrf1);
	(xrf1) =	vsort.ascd.msk.f32 $0xffff, v2, v2;
	v2 =	vperm.xlane v8, v20  }
.Ltmp0:
0x7f: {  	v0 =	vmovc v32;
	v56 =	vsub.f32 v30, v34;
	v55 =	vsub.f32 v50, v34;
	[tilespmem:$0x1FFA0] =	vst v4;
	v4 =	vmov v62;
	(pc) =	sbr.rel @p0 .LBB2_2-.Ltmp0, $4  }
0x80: {  	v46 =	vld [tilespmem:s16+$0xFFFFFF00];
	[tilespmem:$0x1FFF0] =	vst v4;
	v30 =	vmov v7;
	(xrf1) =	vsort.dscd.msk.f32 $0xffff, v29, v51;
	v8, _, _ =	vpop (xrf1);
	v60 =	vsub.f32 v1, v2  }
0x81: {  	v33 =	vld [tilespmem:s16+$0x0];
	v20 =	vmov v6;
	v7, _, _ =	vpop (xrf1);
	(xrf1) =	vsort.dscd.msk.f32 $0xffff, v5, v5;
	v51 =	vsub.f32 v26, v2;
	v62 =	vsub.f32 v37, v2  }
0x82: {  	v42 =	vld [tilespmem:s16+$0x20];
	v37 =	vmov v12;
	v54 =	vsub.f32 v28, v2;
	v28 =	vmov v22;
	(xrf1) =	vsort.dscd.msk.f32 $0xffff, v14, v14;
	v1, _, _ =	vpop (xrf1)  }
0x83: {  	v48 =	vld [tilespmem:s16+$0xB0];
	s16 =	sadd.s32 $0x200, s16;
	v22 =	vmov v19;
	v19 =	vmov v17;
	(xrf1) =	vsort.ascd.msk.f32 $0xffff, v45, v45;
	v9 =	vsel vm0, v1, v8;
	v63, _, _ =	vpop (xrf1)  }
0x84: {  	v1, _, _ =	vpop (xrf1)  }
0x85: {  	(xrf1) =	vsort.ascd.msk.f32 $0xffff, v0, v32;
	v2, _, _ =	vpop (xrf1)  }
0x86: {  	(xrf1) =	vsort.dscd.msk.f32 $0xffff, v46, v46;
	v5, _, _ =	vpop (xrf1)  }
0x87: {  	(xrf1) =	vsort.dscd.msk.f32 $0xffff, v33, v33;
	v8, _, _ =	vpop (xrf1)  }
0x88: {  	v6, _, _ =	vpop (xrf1)  }
0x89: {  	v12, _, _ =	vpop (xrf1)  }
0x8a: {  	(xrf1) =	vsort.dscd.msk.f32 $0xffff, v42, v42;
	v18, _, _ =	vpop (xrf1)  }
0x8b: {  	(xrf1) =	vsort.ascd.msk.f32 $0xffff, v48, v48;
	v26, _, _ =	vpop (xrf1)  }
0x8c: {  	v27, _, _ =	vpop (xrf1)  }
0x8d: {  	v2 =	vsel vm0, v12, v2;
	v52, _, _ =	vpop (xrf1)  }
0x8e: {  	v5 =	vsel vm0, v7, v5;
	v50, _, _ =	vpop (xrf1);
	(xrf1) =	vsort.ascd.msk.f32 $0xffff, v9, v9  }
0x8f: {  	v9, _, _ =	vpop (xrf1);
	(xrf1) =	vsort.ascd.msk.f32 $0xffff, v2, v2  }
0x90: {  	v7 =	vsel vm0, v18, v26;
	v2, _, _ =	vpop (xrf1);
	(xrf1) =	vsort.ascd.msk.f32 $0xffff, v5, v5  }
0x91: {  	v5, _, _ =	vpop (xrf1);
	(xrf1) =	vsort.dscd.msk.f32 $0xffff, v7, v7;
	v7 =	vsel vm0, v9, v52  }
0x92: {  	v1 =	vsel vm0, v1, v10  }
0x93: {  	v9, _, _ =	vpop (xrf1)  }
0x94: {  	(xrf1) =	vsort.ascd.msk.f32 $0xffff, v7, v7;
	v7, _, _ =	vpop (xrf1)  }
0x95: {  	v6 =	vsel vm0, v6, v27;
	(xrf1) =	vsort.ascd.msk.f32 $0xffff, v1, v1;
	v1, _, _ =	vpop (xrf1)  }
0x96: {  	v1 =	vsel vm0, v1, v9  }
0x97: {  	(xrf1) =	vsort.ascd.msk.f32 $0xffff, v6, v6  }
0x98: {  	v5 =	vsel vm0, v7, v5;
	v6, _, _ =	vpop (xrf1);
	(xrf1) =	vsort.dscd.msk.f32 $0xffff, v1, v1  }
0x99: {  	v3 =	vsel vm0, v6, v3;
	(xrf1) =	vsort.dscd.msk.f32 $0xffff, v5, v5;
	v1, _, _ =	vpop (xrf1)  }
0x9a: {  	(xrf1) =	vsort.ascd.msk.f32 $0xffff, v3, v3;
	v1 =	vsel vm0, v2, v1  }
0x9b: {  	(xrf1) =	vsort.ascd.msk.f32 $0xffff, v1, v1;
	v1 =	vsel vm0, v50, v49  }
0x9c: {  	(xrf1) =	vsort.dscd.msk.f32 $0xffff, v1, v1;
	_ =	sdelay $0x2  }
0x9d: {  	v2, _, _ =	vpop (xrf1)  }
0x9e: {  	v5, _, _ =	vpop (xrf1)  }
0x9f: {  	v3, _, _ =	vpop (xrf1)  }
0xa0: {  	v6, _, _ =	vpop (xrf1)  }
0xa1: {  	v1, _, _ =	vpop (xrf1)  }
0xa2: {  	v7, _, _ =	vpop (xrf1)  }
0xa3: {  	v9, _, _ =	vpop (xrf1)  }
0xa4: {  	v10, _, _ =	vpop (xrf1)  }
0xa5: {  	v12, _, _ =	vpop (xrf1)  }
0xa6: {  	v18, _, _ =	vpop (xrf1)  }
0xa7: {  	v3 =	vsel vm0, v6, v3;
	v6, _, _ =	vpop (xrf1)  }
0xa8: {  	(xrf1) =	vsort.ascd.msk.f32 $0xffff, v3, v3;
	v3 =	vsel vm0, v12, v7;
	v7, _, _ =	vpop (xrf1)  }
0xa9: {  	(xrf1) =	vsort.ascd.msk.f32 $0xffff, v3, v3;
	v3 =	vsel vm0, v7, v6  }
0xaa: {  	v6 =	vsel vm0, v10, v18;
	(xrf1) =	vsort.ascd.msk.f32 $0xffff, v3, v3  }
0xab: {  	(xrf1) =	vsort.ascd.msk.f32 $0xffff, v6, v6;
	_ =	sdelay $0xa  }
0xac: {  	v49, _, _ =	vpop (xrf1)  }
0xad: {  	v50, _, _ =	vpop (xrf1)  }
0xae: {  	[tilespmem:s2], [sflag:$0x1] =	stream.linear.gather [hbm4b:s5+s2], $0x8000, $0x38;
	v3, _, _ =	vpop (xrf1);
	[tilespmem:$0x10080] =	vst v63  }
0xaf: {  	[tilespmem:$0x1FF10] =	vst v3;
	v3, _, _ =	vpop (xrf1)  }
0xb0: {  	[tilespmem:$0x1FEF0] =	vst v3  }
0xb1: {  	_ =	swait.ge [sflag:s11], $0x8000  }
0xb2: {  	[sflag:s11] =	ssyncset.done $0x0  }
0xb3: {  	s15 =	simm.s32 $0x8100;
	[sflag:s11] =	ssyncadd.s32 $0xFFFF8000  }
0xb4: {  	v4 =	vld [tilespmem:s15+$0xFFFFFF30];
	_ =	sdelay $0x4  }
0xb5: {  	v3 =	vld [tilespmem:s15+$0x90];
	[tilespmem:$0x1FF60] =	vst v4  }
0xb6: {  	v10 =	vld [tilespmem:s15+$0xFFFFFF20];
	_ =	sdelay $0x2  }
0xb7: {  	v6 =	vld [tilespmem:s15+$0x30]  }
0xb8: {  	v52 =	vld [tilespmem:s15+$0xFFFFFFA0];
	[tilespmem:$0x1FE80] =	vst v3  }
0xb9: {  	[tilespmem:$0x1FF40] =	vst v10  }
0xba: {  	v17 =	vld [tilespmem:s15+$0xFFFFFFB0];
	_ =	sdelay $0x4  }
0xbb: {  	[tilespmem:$0x1FF30] =	vst v17  }
0xbc: {  	(xrf1) =	vsort.ascd.msk.f32 $0xffff, v3, v3;
	v12 =	vld [tilespmem:s15+$0xFFFFFF80];
	[tilespmem:$0x1FE90] =	vst v6  }
0xbd: {  	(xrf1) =	vsort.ascd.msk.f32 $0xffff, v4, v4;
	v4 =	vld [tilespmem:s15+$0xFFFFFF90];
	_ =	sdelay $0x4  }
0xbe: {  	[tilespmem:$0x1FF50] =	vst v4  }
0xbf: {  	(xrf1) =	vsort.ascd.msk.f32 $0xffff, v6, v6;
	v6 =	vld [tilespmem:s15+$0x80]  }
0xc0: {  	(xrf1) =	vsort.dscd.msk.f32 $0xffff, v52, v52  }
0xc1: {  	(xrf1) =	vsort.dscd.msk.f32 $0xffff, v10, v10;
	v26 =	vld [tilespmem:s15+$0xA0]  }
0xc2: {  	v18 =	vmax.f32 v53, v51;
	(xrf1) =	vsort.ascd.msk.f32 $0xffff, v17, v17;
	v53 =	vld [tilespmem:s15+$0xFFFFFF10]  }
0xc3: {  	v27 =	vmax.f32 v61, v54;
	v61 =	vsub.f32 v15, v34;
	(xrf1) =	vsort.dscd.msk.f32 $0xffff, v12, v12;
	v34 =	vld [tilespmem:s15+$0x10]  }
0xc4: {  	v62 =	vmax.f32 v57, v62;
	(xrf1) =	vsort.ascd.msk.f32 $0xffff, v4, v4;
	v57 =	vld [tilespmem:s15+$0xFFFFFF00];
	[tilespmem:$0x1FEA0] =	vst v6  }
0xc5: {  	(xrf1) =	vsort.dscd.msk.f32 $0xffff, v6, v6;
	v6 =	vld [tilespmem:s15+$0x0];
	_ =	sdelay $0x1  }
0xc6: {  	v27 =	vmax.f32 v27, v56;
	v3 =	vimm.s32 $0x8;
	v10 =	vld [tilespmem:$0x1FF70]  }
0xc7: {  	v7 =	vmax.f32 v59, v60;
	v8 =	vperm.xlane v8, v3;
	(xrf1) =	vsort.dscd.msk.f32 $0xffff, v26, v26  }
0xc8: {  	v51 =	vmax.f32 v62, v55;
	v63 =	vperm.xlane v63, v3;
	(xrf1) =	vsort.ascd.msk.f32 $0xffff, v53, v53  }
0xc9: {  	v47 =	vsub.f32 v47, v8;
	v56 =	vsub.f32 v43, v8;
	v43 =	vld [tilespmem:s15+$0x20];
	(xrf1) =	vsort.ascd.msk.f32 $0xffff, v34, v34;
	[tilespmem:$0x1FEB0] =	vst v6  }
0xca: {  	s31 =	simm.s32 $0x8300;
	v35 =	vsub.f32 v35, v8;
	v8 =	vsub.f32 v13, v8;
	(xrf1) =	vsort.dscd.msk.f32 $0xffff, v57, v57;
	v15 =	vld [tilespmem:s15+$0xB0]  }
0xcb: {  	v16 =	vsub.f32 v16, v63;
	v13 =	vsub.f32 v10, v63;
	(xrf1) =	vsort.dscd.msk.f32 $0xffff, v6, v6;
	v6 =	vld [tilespmem:s31+$0x90]  }
0xcc: {  	v18 =	vmax.f32 v18, v58;
	v7 =	vmax.f32 v7, v61;
	v59 =	vmax.f32 v51, v56  }
0xcd: {  	v5 =	vperm.xlane v5, v3;
	v7 =	vmax.f32 v7, v35;
	v32 =	vmax.f32 v59, v13;
	v13 =	vld [tilespmem:s31+$0xFFFFFF30]  }
0xce: {  	v58 =	vsub.f32 v23, v63;
	v8 =	vmax.f32 v27, v8;
	v27, _, _ =	vpop (xrf1);
	(xrf1) =	vsort.dscd.msk.f32 $0xffff, v43, v43;
	v10 =	vld [tilespmem:s31+$0x30]  }
0xcf: {  	v23 =	vsub.f32 v19, v5;
	v17 =	vmax.f32 v7, v16;
	v35, _, _ =	vpop (xrf1);
	v16 =	vmov v15;
	(xrf1) =	vsort.ascd.msk.f32 $0xffff, v15, v15;
	v15 =	vld [tilespmem:s31+$0xFFFFFFA0]  }
0xd0: {  	v40 =	vsub.f32 v40, v63;
	v7, _, _ =	vpop (xrf1);
	[tilespmem:$0x1FEC0] =	vst v6;
	(xrf1) =	vsort.ascd.msk.f32 $0xffff, v6, v6;
	v6 =	vld [tilespmem:$0x1FFA0]  }
0xd1: {  	v2 =	vperm.xlane v2, v3;
	v38 =	vsub.f32 v38, v5;
	v18 =	vmax.f32 v18, v47;
	v60, _, _ =	vpop (xrf1)  }
0xd2: {  	v37 =	vsub.f32 v37, v5;
	v5 =	vsub.f32 v20, v5;
	v18 =	vmax.f32 v18, v40;
	v61, _, _ =	vpop (xrf1)  }
0xd3: {  	v8 =	vmax.f32 v8, v58;
	v18 =	vmax.f32 v18, v23;
	v23, _, _ =	vpop (xrf1);
	v20 =	vld [tilespmem:s31+$0xFFFFFF20];
	(xrf1) =	vsort.ascd.msk.f32 $0xffff, v13, v13  }
0xd4: {  	v5 =	vmax.f32 v8, v5;
	v8 =	vsel vm0, v60, v23;
	v62, _, _ =	vpop (xrf1);
	[tilespmem:$0x1FED0] =	vst v10;
	(xrf1) =	vsort.ascd.msk.f32 $0xffff, v10, v10  }
0xd5: {  	v58, _, _ =	vpop (xrf1);
	(xrf1) =	vsort.ascd.msk.f32 $0xffff, v8, v8;
	v63 =	vsub.f32 v6, v2;
	v6 =	vld [tilespmem:s31+$0xFFFFFFB0]  }
0xd6: {  	v10 =	vsel vm0, v62, v58;
	(xrf1) =	vsort.dscd.msk.f32 $0xffff, v15, v15  }
0xd7: {  	(xrf1) =	vsort.dscd.msk.f32 $0xffff, v10, v10  }
0xd8: {  	v10 =	vsel vm0, v61, v35;
	(xrf1) =	vsort.dscd.msk.f32 $0xffff, v20, v20  }
0xd9: {  	(xrf1) =	vsort.ascd.msk.f32 $0xffff, v10, v10  }
0xda: {  	v55, _, _ =	vpop (xrf1);
	v19 =	vmov v6;
	(xrf1) =	vsort.ascd.msk.f32 $0xffff, v6, v6;
	v6 =	vld [tilespmem:$0x1FFB0]  }
0xdb: {  	v9 =	vperm.xlane v9, v3  }
0xdc: {  	v18 =	vmax.f32 v18, v63  }
0xdd: {  	v1 =	vperm.xlane v1, v3;
	v23, _, _ =	vpop (xrf1);
	v8 =	vsub.f32 v36, v9  }
0xde: {  	v56 =	vmax.f32 v17, v38;
	v60, _, _ =	vpop (xrf1);
	v10 =	vld [tilespmem:$0x1FF90]  }
0xdf: {  	v17 =	vsub.f32 v30, v2;
	[tilespmem:$0x1FEE0] =	vst v15;
	v8 =	vmax.f32 v18, v8;
	v18, _, _ =	vpop (xrf1);
	v63 =	vsub.f32 v6, v1;
	v6 =	vld [tilespmem:$0x1FF80]  }
0xe0: {  	v15 =	vld [tilespmem:s31+$0xFFFFFF80];
	v61, _, _ =	vpop (xrf1)  }
0xe1: {  	v31 =	vsub.f32 v31, v9;
	v59 =	vsub.f32 v22, v2;
	v5 =	vmax.f32 v5, v17;
	v22 =	vld [tilespmem:s31+$0xFFFFFF90];
	v62, _, _ =	vpop (xrf1)  }
0xe2: {  	v17 =	vsub.f32 v21, v1;
	v32 =	vmax.f32 v32, v37;
	v18 =	vsel vm0, v62, v18  }
0xe3: {  	v35 =	vsel vm0, v61, v60;
	(xrf1) =	vsort.dscd.msk.f32 $0xffff, v18, v18;
	v18 =	vsub.f32 v24, v9  }
0xe4: {  	v9 =	vsub.f32 v10, v9;
	(xrf1) =	vsort.dscd.msk.f32 $0xffff, v35, v35;
	v51 =	vsub.f32 v6, v1;
	v6 =	vld [tilespmem:s31+$0x80]  }
0xe5: {  	v4 =	vld [tilespmem:$0x1FFE0];
	v2 =	vsub.f32 v28, v2;
	v58, _, _ =	vpop (xrf1);
	(xrf1) =	vsort.dscd.msk.f32 $0xffff, v15, v15;
	v1 =	vsub.f32 v25, v1  }
0xe6: {  	v30, _, _ =	vpop (xrf1);
	v10 =	vld [tilespmem:s31+$0xA0];
	v7 =	vsel vm0, v58, v7;
	v5 =	vmax.f32 v5, v9;
	(xrf1) =	vsort.ascd.msk.f32 $0xffff, v22, v22  }
0xe7: {  	v38 =	vld [tilespmem:s31+$0xFFFFFF10];
	v9 =	vsel vm0, v23, v30;
	(xrf1) =	vsort.ascd.msk.f32 $0xffff, v7, v7;
	v7 =	vmax.f32 v32, v59  }
0xe8: {  	v8 =	vmax.f32 v8, v17;
	v17 =	vmovc v15;
	v35 =	vperm.xlane v49, v3;
	v15 =	vld [tilespmem:s31+$0x10];
	(xrf1) =	vsort.ascd.msk.f32 $0xffff, v9, v9  }
0xe9: {  	v40 =	vld [tilespmem:s31+$0xFFFFFF00];
	v9 =	vsel vm0, v55, v27;
	v59 =	vmax.f32 v5, v1;
	v1, _, _ =	vpop (xrf1);
	(xrf1) =	vsort.dscd.msk.f32 $0xffff, v6, v6  }
0xea: {  	v30 =	vld [tilespmem:s31+$0x0];
	v5 =	vmax.f32 v7, v18;
	v7, _, _ =	vpop (xrf1);
	v21 =	vmov v6;
	v6 =	vperm.xlane v50, v3;
	(xrf1) =	vsort.dscd.msk.f32 $0xffff, v9, v9  }
0xeb: {  	v37 =	vld [tilespmem:s31+$0x20];
	v2 =	vmax.f32 v56, v2;
	v49 =	vsub.f32 v4, v35;
	v47, _, _ =	vpop (xrf1);
	(xrf1) =	vsort.dscd.msk.f32 $0xffff, v10, v10  }
0xec: {  	v28 =	vld [tilespmem:s31+$0xB0];
	v9, _, _ =	vpop (xrf1);
	v18 =	vsub.f32 v46, v6;
	v60 =	vsub.f32 v39, v6;
	(xrf1) =	vsort.ascd.msk.f32 $0xffff, v38, v38  }
0xed: {  	s16 =	simm.s32 $0x8500;
	v61 =	vsub.f32 v45, v6;
	v4 =	vsub.f32 v11, v6;
	v6 =	vld [tilespmem:$0x1FFF0];
	v50, _, _ =	vpop (xrf1);
	(xrf1) =	vsort.ascd.msk.f32 $0xffff, v15, v15  }
0xee: {  	v2 =	vmax.f32 v2, v31;
	v27 =	vmax.f32 v5, v51;
	v5 =	vld [tilespmem:s16+$0x90];
	v31, _, _ =	vpop (xrf1);
	(xrf1) =	vsort.dscd.msk.f32 $0xffff, v40, v40  }
0xef: {  	v2 =	vmax.f32 v2, v63;
	v45, _, _ =	vpop (xrf1);
	(xrf1) =	vsort.dscd.msk.f32 $0xffff, v30, v30  }
0xf0: {  	v2 =	vmax.f32 v2, v18;
	v18 =	vld [tilespmem:s16+$0xFFFFFF30];
	v9 =	vsel vm0, v31, v9;
	v11, _, _ =	vpop (xrf1);
	(xrf1) =	vsort.dscd.msk.f32 $0xffff, v37, v37  }
0xf1: {  	v31 =	vld [tilespmem:s16+$0xFFFFFFA0];
	v62, _, _ =	vpop (xrf1);
	(xrf1) =	vsort.ascd.msk.f32 $0xffff, v28, v28  }
0xf2: {  	v46 =	vsub.f32 v6, v35;
	v6 =	vld [tilespmem:s16+$0x30];
	v54, _, _ =	vpop (xrf1);
	(xrf1) =	vsort.ascd.msk.f32 $0xffff, v9, v9  }
0xf3: {  	[tilespmem:$0x1FF00] =	vst v5;
	v9, _, _ =	vpop (xrf1);
	(xrf1) =	vsort.ascd.msk.f32 $0xffff, v5, v5;
	v5 =	vld [tilespmem:$0x1FF10]  }
0xf4: {  	v36 =	vmax.f32 v8, v60;
	v8 =	vld [tilespmem:$0x1FEF0];
	v9 =	vsel vm0, v9, v11  }
0xf5: {  	v58, _, _ =	vpop (xrf1)  }
0xf6: {  	v44 =	vsub.f32 v44, v35;
	v55 =	vsub.f32 v41, v35;
	(xrf1) =	vsort.ascd.msk.f32 $0xffff, v18, v18;
	v11, _, _ =	vpop (xrf1)  }
0xf7: {  	v4 =	vmax.f32 v59, v4;
	v27 =	vmax.f32 v27, v61;
	(xrf1) =	vsort.ascd.msk.f32 $0xffff, v9, v9;
	v9, _, _ =	vpop (xrf1)  }
0xf8: {  	v60 =	vsel vm0, v50, v62;
	(xrf1) =	vsort.ascd.msk.f32 $0xffff, v6, v6;
	v61, _, _ =	vpop (xrf1);
	v39 =	vperm.xlane v5, v3;
	v5 =	vld [tilespmem:$0x1FFD0]  }
0xf9: {  	v36 =	vmax.f32 v36, v49;
	v41 =	vld [tilespmem:s16+$0xFFFFFF20];
	v63 =	vperm.xlane v8, v3;
	(xrf1) =	vsort.ascd.msk.f32 $0xffff, v60, v60;
	v50, _, _ =	vpop (xrf1)  }
0xfa: {  	v7 =	vsel vm0, v45, v7;
	[tilespmem:$0x1FF20] =	vst v6;
	v11 =	vsel vm0, v58, v11;
	(xrf1) =	vsort.dscd.msk.f32 $0xffff, v31, v31;
	v62, _, _ =	vpop (xrf1)  }
0xfb: {  	v59 =	vsub.f32 v42, v63;
	v32 =	vld [tilespmem:s16+$0xFFFFFFB0];
	(xrf1) =	vsort.dscd.msk.f32 $0xffff, v11, v11;
	v11 =	vsel vm0, v62, v61  }
0xfc: {  	v4 =	vmax.f32 v4, v46;
	v49 =	vsub.f32 v33, v63;
	v0 =	vsub.f32 v0, v63  }
0xfd: {  	v51, _, _ =	vpop (xrf1);
	v14 =	vsub.f32 v14, v39;
	(xrf1) =	vsort.ascd.msk.f32 $0xffff, v11, v11;
	v63 =	vsub.f32 v5, v63;
	v5 =	vld [tilespmem:$0x1FFC0]  }
0xfe: {  	v36 =	vmax.f32 v36, v59;
	v9 =	vsel vm0, v54, v9;
	(xrf1) =	vsort.dscd.msk.f32 $0xffff, v41, v41;
	v11, _, _ =	vpop (xrf1)  }
0xff: {  	v35 =	vmax.f32 v36, v14;
	v14 =	vsub.f32 v48, v39;
	(xrf1) =	vsort.ascd.msk.f32 $0xffff, v7, v7;
	v56, _, _ =	vpop (xrf1)  }
0x100: {  	v45 =	vld [tilespmem:s16+$0xFFFFFF80];
	v58 =	vsub.f32 v29, v39;
	(xrf1) =	vsort.ascd.msk.f32 $0xffff, v32, v32;
	v59, _, _ =	vpop (xrf1);
	v4 =	vmax.f32 v4, v63  }
0x101: {  	v42 =	vld [tilespmem:s16+$0xFFFFFF90];
	v7 =	vmax.f32 v27, v55;
	(xrf1) =	vsort.ascd.msk.f32 $0xffff, v9, v9;
	v27, _, _ =	vpop (xrf1);
	v60 =	vmax.f32 v4, v14  }
0x102: {  	v4 =	vsel vm0, v59, v11;
	v27 =	vsel vm0, v27, v56;
	v29 =	vsub.f32 v5, v39  }
0x103: {  	v0 =	vmax.f32 v7, v0;
	v48, _, _ =	vpop (xrf1);
	(xrf1) =	vsort.dscd.msk.f32 $0xffff, v27, v27  }
0x104: {  	v2 =	vmax.f32 v2, v44;
	v33 =	vld [tilespmem:s16+$0x80];
	v9, _, _ =	vpop (xrf1);
	(xrf1) =	vsort.dscd.msk.f32 $0xffff, v4, v4;
	v56 =	vmax.f32 v0, v29  }
0x105: {  	v4, _, _ =	vpop (xrf1);
	v0 =	vmax.f32 v2, v49;
	(xrf1) =	vsort.dscd.msk.f32 $0xffff, v45, v45;
	v2 =	vsel vm0, v48, v47  }
0x106: {  	v27, _, _ =	vpop (xrf1);
	(xrf1) =	vsort.ascd.msk.f32 $0xffff, v42, v42  }
0x107: {  	v11, _, _ =	vpop (xrf1);
	v62 =	vmax.f32 v0, v58;
	v0 =	vsel vm0, v51, v9;
	(xrf1) =	vsort.ascd.msk.f32 $0xffff, v2, v2  }
0x108: {  	v2, _, _ =	vpop (xrf1);
	(xrf1) =	vsort.ascd.msk.f32 $0xffff, v0, v0  }
0x109: {  	v1 =	vsel vm0, v50, v1;
	v0 =	vperm.xlane v2, v3;
	(xrf1) =	vsort.dscd.msk.f32 $0xffff, v33, v33;
	v2 =	vld [tilespmem:$0x1FF30]  }
0x10a: {  	v7, _, _ =	vpop (xrf1);
	(xrf1) =	vsort.dscd.msk.f32 $0xffff, v1, v1;
	v1 =	vld [tilespmem:$0x1FF40];
	_ =	sdelay $0x1  }
0x10b: {  	v46 =	vld [tilespmem:s16+$0xFFFFFF10];
	v61 =	vperm.xlane v4, v3  }
0x10c: {  	v36 =	vld [tilespmem:s16+$0x10];
	v4, _, _ =	vpop (xrf1)  }
0x10d: {  	v29 =	vld [tilespmem:s16+$0xA0];
	v58 =	vsub.f32 v2, v61;
	v2, _, _ =	vpop (xrf1)  }
0x10e: {  	v3 =	vld [tilespmem:$0x1FF50];
	v51 =	vsub.f32 v1, v0;
	v1, _, _ =	vpop (xrf1)  }
0x10f: {  	v4 =	vsel vm0, v1, v4;
	v1 =	vld [tilespmem:$0x1FF60];
	_ =	sdelay $0x1  }
0x110: {  	v47 =	vld [tilespmem:s16+$0xFFFFFF00]  }
0x111: {  	v23 =	vmov v10;
	v44 =	vld [tilespmem:s16+$0x20];
	v59 =	vsub.f32 v52, v61  }
0x112: {  	v25 =	vmovc v15;
	v39 =	vld [tilespmem:s16+$0x0];
	v52 =	vsub.f32 v57, v0;
	(xrf1) =	vsort.dscd.msk.f32 $0xffff, v29, v29;
	v63 =	vsub.f32 v53, v0  }
0x113: {  	s15 =	simm.s32 $0x8;
	v48 =	vld [tilespmem:s16+$0xB0];
	s16 =	simm.s32 $0x8700;
	v55 =	vsub.f32 v3, v61;
	(xrf1) =	vsort.ascd.msk.f32 $0xffff, v46, v46;
	v57, _, _ =	vpop (xrf1);
	v50 =	vsub.f32 v1, v0;
	v0 =	vmov v36  }
.LBB2_4:
0x114: {  	_ = 	snop  }
0x115: {  	v5, _, _ =	vpop (xrf1);
	(xrf1) =	vsort.ascd.msk.f32 $0xffff, v36, v0;
	v1 =	vmov v40;
	v40 =	vmov v47  }
0x116: {  	v24 =	vmov v41;
	v0 =	vmax.f32 v35, v51;
	v35 =	vld [tilespmem:s16+$0x90];
	v41, _, _ =	vpop (xrf1);
	(xrf1) =	vsort.dscd.msk.f32 $0xffff, v40, v47  }
0x117: {  	v52 =	vmax.f32 v62, v52;
	v9 =	vmov v18;
	v18 =	vld [tilespmem:s16+$0xFFFFFF30];
	v62 =	vsub.f32 v12, v61;
	v47, _, _ =	vpop (xrf1);
	(xrf1) =	vsort.dscd.msk.f32 $0xffff, v39, v39  }
0x118: {  	v60 =	vmax.f32 v60, v50;
	v50 =	vmov v22;
	v22 =	vmov v42;
	v42, _, _ =	vpop (xrf1);
	(xrf1) =	vsort.dscd.msk.f32 $0xffff, v44, v44  }
0x119: {  	v15 =	vmov v17;
	v17 =	vmov v45;
	v61 =	vld [tilespmem:s16+$0x30];
	v12 =	vimm.s32 $0x8;
	v45, _, _ =	vpop (xrf1);
	(xrf1) =	vsort.ascd.msk.f32 $0xffff, v48, v48  }
0x11a: {  	v3 =	vperm.xlane v42, v12;
	v42, _, _ =	vpop (xrf1);
	(xrf1) =	vsort.ascd.msk.f32 $0xffff, v4, v4  }
0x11b: {  	v4 =	vmax.f32 v56, v63;
	v56, _, _ =	vpop (xrf1);
	(xrf1) =	vsort.ascd.msk.f32 $0xffff, v35, v35  }
0x11c: {  	v6 =	vld [tilespmem:$0x1FEB0];
	v8 =	vmov v30;
	v2 =	vsel vm0, v2, v47;
	v42 =	vsel vm0, v42, v41;
	v63, _, _ =	vpop (xrf1);
	(xrf1) =	vsort.ascd.msk.f32 $0xffff, v18, v18  }
0x11d: {  	v10 =	vmov v21;
	[tilespmem:$0x1FEB0] =	vst v8;
	v8 =	vld [tilespmem:$0x1FEA0];
	v56 =	vsel vm0, v56, v63;
	v63, _, _ =	vpop (xrf1);
	(xrf1) =	vsort.ascd.msk.f32 $0xffff, v42, v42  }
0x11e: {  	v5 =	vsel vm0, v5, v11;
	[tilespmem:$0x1FEA0] =	vst v10;
	v10 =	vld [tilespmem:$0x1FE80];
	v11, _, _ =	vpop (xrf1);
	(xrf1) =	vsort.ascd.msk.f32 $0xffff, v61, v61  }
0x11f: {  	(xrf1) =	vsort.ascd.msk.f32 $0xffff, v2, v2;
	v2, _, _ =	vpop (xrf1)  }
0x120: {  	v49 =	vmov v20;
	v54 =	vld [tilespmem:s16+$0xFFFFFFA0];
	v20 =	vmov v28;
	v21 =	vmov v33;
	v33, _, _ =	vpop (xrf1)  }
0x121: {  	v28 =	vmovc v48;
	v48 =	vperm.xlane v57, v12;
	v43 =	vsub.f32 v43, v3;
	v11 =	vsel vm0, v33, v11;
	v33 =	vld [tilespmem:$0x1FF00]  }
0x122: {  	v59 =	vmax.f32 v0, v59  }
0x123: {  	v43 =	vmax.f32 v59, v43;
	v59 =	vsub.f32 v10, v48;
	v10 =	vld [tilespmem:$0x1FEC0];
	_ =	sdelay $0x1  }
0x124: {  	v41 =	vld [tilespmem:s16+$0xFFFFFF20];
	(xrf1) =	vsort.dscd.msk.f32 $0xffff, v54, v54  }
0x125: {  	(xrf1) =	vsort.dscd.msk.f32 $0xffff, v56, v56;
	v56 =	vsel vm0, v45, v63;
	v63 =	vmov v33  }
0x126: {  	v53 =	vmov v27  }
0x127: {  	v27 =	vmov v16;
	v16 =	vmov v13;
	v13 =	vmov v10;
	v10, _, _ =	vpop (xrf1)  }
0x128: {  	v26 =	vsub.f32 v26, v48;
	[tilespmem:$0x1FEC0] =	vst v63;
	v63, _, _ =	vpop (xrf1);
	(xrf1) =	vsort.ascd.msk.f32 $0xffff, v11, v11  }
0x129: {  	[tilespmem:$0x1FE80] =	vst v13;
	v13 =	vld [tilespmem:$0x1FE90];
	v11 =	vmax.f32 v60, v58;
	(xrf1) =	vsort.dscd.msk.f32 $0xffff, v41, v41;
	v58, _, _ =	vpop (xrf1)  }
0x12a: {  	v33 =	vmov v35;
	v35 =	vmax.f32 v43, v26;
	v26 =	vsub.f32 v27, v48;
	v27, _, _ =	vpop (xrf1);
	(xrf1) =	vsort.ascd.msk.f32 $0xffff, v5, v5;
	v5 =	vld [tilespmem:$0x1FED0];
	_ =	sdelay $0x3  }
0x12b: {  	v6 =	vsub.f32 v6, v3  }
0x12c: {  	v57 =	vld [tilespmem:s16+$0xFFFFFFB0];
	v34 =	vsub.f32 v34, v3;
	v3 =	vsub.f32 v13, v3;
	v13 =	vmov v5  }
0x12d: {  	[tilespmem:$0x1FE90] =	vst v13;
	v13 =	vld [tilespmem:$0x1FF20];
	_ =	sdelay $0x3  }
0x12e: {  	v8 =	vsub.f32 v8, v48;
	v4 =	vmax.f32 v4, v55;
	v45 =	vld [tilespmem:s16+$0xFFFFFF80]  }
0x12f: {  	v42 =	vld [tilespmem:s16+$0xFFFFFF90];
	v43 =	vmax.f32 v11, v3;
	(xrf1) =	vsort.ascd.msk.f32 $0xffff, v57, v57;
	v11, _, _ =	vpop (xrf1);
	v5 =	vsel vm0, v27, v63;
	v27 =	vmov v13  }
0x130: {  	v48, _, _ =	vpop (xrf1);
	(xrf1) =	vsort.ascd.msk.f32 $0xffff, v56, v56;
	v13 =	vsel vm0, v11, v58;
	[tilespmem:$0x1FED0] =	vst v27;
	v27 =	vmax.f32 v4, v34  }
0x131: {  	v51 =	vld [tilespmem:s16+$0x80];
	v3, _, _ =	vpop (xrf1);
	v11 =	vmov v61;
	(xrf1) =	vsort.dscd.msk.f32 $0xffff, v13, v13  }
0x132: {  	v4, _, _ =	vpop (xrf1);
	(xrf1) =	vsort.dscd.msk.f32 $0xffff, v5, v5  }
0x133: {  	v56 =	vmax.f32 v27, v59;
	(xrf1) =	vsort.dscd.msk.f32 $0xffff, v45, v45;
	v27, _, _ =	vpop (xrf1)  }
0x134: {  	v0 =	vld [tilespmem:s16+$0x10];
	[tilespmem:$0x1FF20] =	vst v11;
	v5 =	vsel vm0, v48, v7;
	v11, _, _ =	vpop (xrf1);
	(xrf1) =	vsort.ascd.msk.f32 $0xffff, v42, v42  }
0x135: {  	(xrf1) =	vsort.ascd.msk.f32 $0xffff, v5, v5;
	v5 =	vld [tilespmem:$0x1FEE0]  }
0x136: {  	v14 =	vmov v46;
	v30 =	vmov v39;
	[tilespmem:$0x1FF00] =	vst v33;
	v33 =	vmov v51  }
0x137: {  	v60 =	vmax.f32 v43, v26;
	v26 =	vmovc v23;
	v23 =	vmovc v29;
	v43 =	vmov v37;
	v3 =	vsel vm0, v10, v3  }
0x138: {  	v37 =	vmovc v44;
	v34 =	vmovc v25;
	v25 =	vmov v36;
	v61 =	vperm.xlane v4, v12;
	v4 =	vmax.f32 v52, v62  }
0x139: {  	s15 =	sadd.s32 $0x4, s15;
	v29 =	vld [tilespmem:s16+$0xA0];
	v36 =	vmovc v0;
	v4 =	vmax.f32 v4, v6;
	v6 =	vmovc v31;
	v31 =	vmov v54;
	v13 =	vmov v9  }
0x13a: {  	v46 =	vld [tilespmem:s16+$0xFFFFFF10];
	p0 =	slt.u32 s15, $0xFC;
	v62 =	vmax.f32 v4, v8;
	v4 =	vsel vm0, v2, v53;
	v59 =	vsub.f32 v5, v61;
	v5, _, _ =	vpop (xrf1)  }
.Ltmp1:
0x13b: {  	v58 =	vsub.f32 v19, v61;
	v19 =	vmov v32;
	v7, _, _ =	vpop (xrf1);
	(xrf1) =	vsort.ascd.msk.f32 $0xffff, v3, v3;
	v3 =	vperm.xlane v5, v12;
	(pc) =	sbr.rel @p0 .LBB2_4-.Ltmp1, $4  }
0x13c: {  	v47 =	vld [tilespmem:s16+$0xFFFFFF00];
	v32 =	vmov v57;
	v55 =	vsub.f32 v50, v61;
	[tilespmem:$0x1FEE0] =	vst v6;
	(xrf1) =	vsort.dscd.msk.f32 $0xffff, v33, v51;
	v5, _, _ =	vpop (xrf1)  }
0x13d: {  	v39 =	vld [tilespmem:s16+$0x0];
	v12 =	vmov v15;
	v2, _, _ =	vpop (xrf1);
	(xrf1) =	vsort.dscd.msk.f32 $0xffff, v4, v4;
	v52 =	vsub.f32 v1, v3;
	v51 =	vsub.f32 v49, v3  }
0x13e: {  	v44 =	vld [tilespmem:s16+$0x20];
	v63 =	vsub.f32 v38, v3;
	v38 =	vmov v14;
	v50 =	vsub.f32 v16, v3;
	(xrf1) =	vsort.dscd.msk.f32 $0xffff, v29, v29;
	v1, _, _ =	vpop (xrf1)  }
0x13f: {  	v48 =	vld [tilespmem:s16+$0xB0];
	s16 =	sadd.s32 $0x200, s16;
	v16 =	vmov v20;
	v20 =	vmov v24;
	(xrf1) =	vsort.ascd.msk.f32 $0xffff, v46, v46;
	v4 =	vsel vm0, v1, v5;
	v57, _, _ =	vpop (xrf1)  }
0x140: {  	v1, _, _ =	vpop (xrf1)  }
0x141: {  	(xrf1) =	vsort.ascd.msk.f32 $0xffff, v36, v0;
	v0, _, _ =	vpop (xrf1)  }
0x142: {  	(xrf1) =	vsort.dscd.msk.f32 $0xffff, v47, v47;
	v3, _, _ =	vpop (xrf1)  }
0x143: {  	(xrf1) =	vsort.dscd.msk.f32 $0xffff, v39, v39;
	v5, _, _ =	vpop (xrf1)  }
0x144: {  	v6, _, _ =	vpop (xrf1)  }
0x145: {  	v8, _, _ =	vpop (xrf1)  }
0x146: {  	(xrf1) =	vsort.dscd.msk.f32 $0xffff, v44, v44;
	v9, _, _ =	vpop (xrf1)  }
0x147: {  	(xrf1) =	vsort.ascd.msk.f32 $0xffff, v48, v48;
	v10, _, _ =	vpop (xrf1)  }
0x148: {  	v14, _, _ =	vpop (xrf1)  }
0x149: {  	v0 =	vsel vm0, v8, v0;
	v49, _, _ =	vpop (xrf1)  }
0x14a: {  	v2 =	vsel vm0, v2, v3;
	v53, _, _ =	vpop (xrf1);
	(xrf1) =	vsort.ascd.msk.f32 $0xffff, v4, v4  }
0x14b: {  	v4, _, _ =	vpop (xrf1);
	(xrf1) =	vsort.ascd.msk.f32 $0xffff, v0, v0  }
0x14c: {  	v3 =	vsel vm0, v9, v10;
	v0, _, _ =	vpop (xrf1);
	(xrf1) =	vsort.ascd.msk.f32 $0xffff, v2, v2  }
0x14d: {  	v2, _, _ =	vpop (xrf1);
	(xrf1) =	vsort.dscd.msk.f32 $0xffff, v3, v3;
	v3 =	vsel vm0, v4, v49  }
0x14e: {  	v1 =	vsel vm0, v1, v11  }
0x14f: {  	v4, _, _ =	vpop (xrf1)  }
0x150: {  	(xrf1) =	vsort.ascd.msk.f32 $0xffff, v3, v3;
	v3, _, _ =	vpop (xrf1)  }
0x151: {  	(xrf1) =	vsort.ascd.msk.f32 $0xffff, v1, v1;
	v1, _, _ =	vpop (xrf1)  }
0x152: {  	v6 =	vsel vm0, v6, v14;
	v1 =	vsel vm0, v1, v4  }
0x153: {  	(xrf1) =	vsort.ascd.msk.f32 $0xffff, v6, v6  }
0x154: {  	v2 =	vsel vm0, v3, v2;
	v3, _, _ =	vpop (xrf1);
	(xrf1) =	vsort.dscd.msk.f32 $0xffff, v1, v1  }
0x155: {  	(xrf1) =	vsort.dscd.msk.f32 $0xffff, v2, v2;
	v2 =	vsel vm0, v3, v7;
	v1, _, _ =	vpop (xrf1)  }
0x156: {  	(xrf1) =	vsort.ascd.msk.f32 $0xffff, v2, v2;
	v0 =	vsel vm0, v0, v1  }
0x157: {  	(xrf1) =	vsort.ascd.msk.f32 $0xffff, v0, v0;
	v0 =	vsel vm0, v53, v27  }
0x158: {  	(xrf1) =	vsort.dscd.msk.f32 $0xffff, v0, v0;
	_ =	sdelay $0x2  }
0x159: {  	v0, _, _ =	vpop (xrf1)  }
0x15a: {  	v2, _, _ =	vpop (xrf1)  }
0x15b: {  	v3, _, _ =	vpop (xrf1)  }
0x15c: {  	v4, _, _ =	vpop (xrf1)  }
0x15d: {  	v1, _, _ =	vpop (xrf1)  }
0x15e: {  	v6, _, _ =	vpop (xrf1)  }
0x15f: {  	v8, _, _ =	vpop (xrf1)  }
0x160: {  	v7, _, _ =	vpop (xrf1)  }
0x161: {  	v53, _, _ =	vpop (xrf1)  }
0x162: {  	v54, _, _ =	vpop (xrf1)  }
0x163: {  	v3 =	vsel vm0, v4, v3;
	v4, _, _ =	vpop (xrf1)  }
0x164: {  	(xrf1) =	vsort.ascd.msk.f32 $0xffff, v3, v3;
	v3 =	vsel vm0, v53, v6;
	v6, _, _ =	vpop (xrf1)  }
0x165: {  	(xrf1) =	vsort.ascd.msk.f32 $0xffff, v3, v3;
	v3 =	vsel vm0, v6, v4  }
0x166: {  	v4 =	vsel vm0, v7, v54;
	(xrf1) =	vsort.ascd.msk.f32 $0xffff, v3, v3  }
0x167: {  	(xrf1) =	vsort.ascd.msk.f32 $0xffff, v4, v4;
	_ =	sdelay $0xa  }
0x168: {  	v53, _, _ =	vpop (xrf1)  }
0x169: {  	v49, _, _ =	vpop (xrf1)  }
0x16a: {  	[tilespmem:s9], [sflag:$0x2] =	stream.linear.gather [hbm4b:s6+s2], $0x8000, $0x38;
	v3, _, _ =	vpop (xrf1);
	[tilespmem:$0x10080] =	vst v63  }
0x16b: {  	[tilespmem:$0x1FE20] =	vst v3;
	v3, _, _ =	vpop (xrf1)  }
0x16c: {  	[tilespmem:$0x1FE00] =	vst v3  }
0x16d: {  	_ =	swait.ge [sflag:s10], $0x8000  }
0x16e: {  	[sflag:s10] =	ssyncset.done $0x0  }
0x16f: {  	s15 =	simm.s32 $0x100;
	[sflag:s10] =	ssyncadd.s32 $0xFFFF8000  }
0x170: {  	v6 =	vld [tilespmem:s15+$0xFFFFFF30];
	_ =	sdelay $0x4  }
0x171: {  	v3 =	vld [tilespmem:s15+$0x90];
	[tilespmem:$0x1FE70] =	vst v6  }
0x172: {  	v7 =	vld [tilespmem:s15+$0xFFFFFF20];
	_ =	sdelay $0x2  }
0x173: {  	v4 =	vld [tilespmem:s15+$0x30]  }
0x174: {  	v54 =	vld [tilespmem:s15+$0xFFFFFFA0];
	[tilespmem:$0x1FD80] =	vst v3  }
0x175: {  	[tilespmem:$0x1FE50] =	vst v7  }
0x176: {  	v10 =	vld [tilespmem:s15+$0xFFFFFFB0];
	_ =	sdelay $0x4  }
0x177: {  	[tilespmem:$0x1FE40] =	vst v10  }
0x178: {  	v14 =	vld [tilespmem:s15+$0xFFFFFF80];
	[tilespmem:$0x1FD90] =	vst v4  }
0x179: {  	v11 =	vld [tilespmem:s15+$0xFFFFFF90];
	_ =	sdelay $0x1  }
0x17a: {  	(xrf1) =	vsort.ascd.msk.f32 $0xffff, v3, v3  }
0x17b: {  	(xrf1) =	vsort.ascd.msk.f32 $0xffff, v6, v6  }
0x17c: {  	v6 =	vmax.f32 v60, v50;
	(xrf1) =	vsort.ascd.msk.f32 $0xffff, v4, v4  }
0x17d: {  	v6 =	vmax.f32 v6, v58;
	v58 =	vld [tilespmem:$0x1FE90];
	(xrf1) =	vsort.dscd.msk.f32 $0xffff, v54, v54;
	[tilespmem:$0x1FE60] =	vst v11  }
0x17e: {  	(xrf1) =	vsort.dscd.msk.f32 $0xffff, v7, v7;
	v9 =	vld [tilespmem:s15+$0x80]  }
0x17f: {  	(xrf1) =	vsort.ascd.msk.f32 $0xffff, v10, v10;
	v10 =	vsub.f32 v12, v61;
	v61 =	vld [tilespmem:$0x1FEB0]  }
0x180: {  	v27 =	vld [tilespmem:s15+$0xA0]  }
0x181: {  	v3 =	vmax.f32 v62, v52;
	v62 =	vld [tilespmem:s15+$0xFFFFFF10]  }
0x182: {  	v4 =	vmax.f32 v35, v51;
	v35 =	vld [tilespmem:s15+$0x10]  }
0x183: {  	v50 =	vmax.f32 v56, v63;
	v7 =	vimm.s32 $0x8;
	(xrf1) =	vsort.dscd.msk.f32 $0xffff, v14, v14;
	v56 =	vld [tilespmem:s15+$0xFFFFFF00];
	[tilespmem:$0x1FDA0] =	vst v9  }
0x184: {  	v5 =	vperm.xlane v5, v7;
	(xrf1) =	vsort.ascd.msk.f32 $0xffff, v11, v11;
	v11 =	vld [tilespmem:s15+$0x0]  }
0x185: {  	v50 =	vmax.f32 v50, v55;
	v2 =	vperm.xlane v2, v7;
	v4 =	vmax.f32 v4, v59;
	v59 =	vld [tilespmem:$0x1FEA0]  }
0x186: {  	v60 =	vld [tilespmem:$0x1FE80];
	v43 =	vsub.f32 v43, v5;
	v51 =	vperm.xlane v57, v7;
	(xrf1) =	vsort.dscd.msk.f32 $0xffff, v9, v9  }
0x187: {  	v0 =	vperm.xlane v0, v7;
	v3 =	vmax.f32 v3, v10;
	(xrf1) =	vsort.dscd.msk.f32 $0xffff, v27, v27  }
0x188: {  	v4 =	vmax.f32 v4, v43;
	v15 =	vsub.f32 v26, v51;
	(xrf1) =	vsort.ascd.msk.f32 $0xffff, v62, v62  }
0x189: {  	v26 =	vsub.f32 v34, v5;
	v63 =	vsub.f32 v61, v5;
	v43 =	vld [tilespmem:s15+$0x20];
	(xrf1) =	vsort.ascd.msk.f32 $0xffff, v35, v35;
	[tilespmem:$0x1FDB0] =	vst v11  }
0x18a: {  	s31 =	simm.s32 $0x300;
	v5 =	vsub.f32 v58, v5;
	v34 =	vsub.f32 v59, v51;
	(xrf1) =	vsort.dscd.msk.f32 $0xffff, v56, v56;
	v12 =	vld [tilespmem:s15+$0xB0]  }
0x18b: {  	v57 =	vsub.f32 v60, v51;
	v3 =	vmax.f32 v3, v63;
	(xrf1) =	vsort.dscd.msk.f32 $0xffff, v11, v11;
	v63 =	vld [tilespmem:s31+$0x90]  }
0x18c: {  	v8 =	vperm.xlane v8, v7;
	v1 =	vperm.xlane v1, v7;
	v5 =	vmax.f32 v6, v5;
	v6, _, _ =	vpop (xrf1);
	v55 =	vld [tilespmem:s31+$0xFFFFFF30]  }
0x18d: {  	v20 =	vsub.f32 v20, v2;
	v16 =	vsub.f32 v16, v51;
	v61 =	vmax.f32 v50, v26;
	v26, _, _ =	vpop (xrf1);
	v58 =	vld [tilespmem:s31+$0x30]  }
0x18e: {  	v38 =	vsub.f32 v38, v2;
	v3 =	vmax.f32 v3, v34;
	v34, _, _ =	vpop (xrf1);
	(xrf1) =	vsort.dscd.msk.f32 $0xffff, v43, v43  }
0x18f: {  	v50 =	vmax.f32 v61, v57;
	v59 =	vld [tilespmem:$0x1FEE0];
	v5 =	vmax.f32 v5, v16;
	v57, _, _ =	vpop (xrf1);
	(xrf1) =	vsort.ascd.msk.f32 $0xffff, v12, v12  }
0x190: {  	v16 =	vsub.f32 v40, v2;
	v2 =	vsub.f32 v13, v2;
	v51, _, _ =	vpop (xrf1);
	(xrf1) =	vsort.ascd.msk.f32 $0xffff, v63, v63  }
0x191: {  	v4 =	vmax.f32 v4, v15;
	v13, _, _ =	vpop (xrf1);
	v15 =	vmov v12;
	v12 =	vld [tilespmem:s31+$0xFFFFFFA0];
	[tilespmem:$0x1FDC0] =	vst v63;
	(xrf1) =	vsort.ascd.msk.f32 $0xffff, v55, v55  }
0x192: {  	v2 =	vmax.f32 v5, v2;
	v5 =	vsel vm0, v57, v13;
	v40, _, _ =	vpop (xrf1);
	[tilespmem:$0x1FDD0] =	vst v55;
	(xrf1) =	vsort.ascd.msk.f32 $0xffff, v58, v58  }
0x193: {  	v4 =	vmax.f32 v4, v20;
	v52, _, _ =	vpop (xrf1);
	v20 =	vld [tilespmem:s31+$0xFFFFFF20];
	(xrf1) =	vsort.ascd.msk.f32 $0xffff, v5, v5;
	v5 =	vsub.f32 v37, v8  }
0x194: {  	v3 =	vmax.f32 v3, v16;
	v16 =	vsub.f32 v59, v0;
	[tilespmem:$0x1FDE0] =	vst v58;
	v57, _, _ =	vpop (xrf1)  }
0x195: {  	v24 =	vsub.f32 v21, v1;
	v60 =	vsub.f32 v19, v0;
	v38 =	vmax.f32 v50, v38;
	v61 =	vld [tilespmem:s31+$0xFFFFFFB0];
	v63, _, _ =	vpop (xrf1)  }
0x196: {  	v4 =	vmax.f32 v4, v16;
	v16 =	vsel vm0, v40, v52;
	v52 =	vld [tilespmem:$0x1FEC0];
	v40, _, _ =	vpop (xrf1);
	[tilespmem:$0x1FDF0] =	vst v12;
	(xrf1) =	vsort.dscd.msk.f32 $0xffff, v12, v12  }
0x197: {  	v2 =	vmax.f32 v2, v60;
	v4 =	vmax.f32 v4, v5;
	(xrf1) =	vsort.dscd.msk.f32 $0xffff, v16, v16;
	v50 =	vld [tilespmem:s31+$0xFFFFFF80];
	v5, _, _ =	vpop (xrf1)  }
0x198: {  	v60 =	vld [tilespmem:$0x1FED0];
	v55 =	vsub.f32 v22, v0;
	v16 =	vsel vm0, v51, v26;
	(xrf1) =	vsort.dscd.msk.f32 $0xffff, v20, v20;
	v19, _, _ =	vpop (xrf1)  }
0x199: {  	v0 =	vsub.f32 v17, v0;
	v17 =	vld [tilespmem:s31+$0xFFFFFF90];
	(xrf1) =	vsort.ascd.msk.f32 $0xffff, v16, v16;
	v16 =	vsel vm0, v19, v40;
	v19, _, _ =	vpop (xrf1)  }
0x19a: {  	v26 =	vsub.f32 v30, v8;
	(xrf1) =	vsort.ascd.msk.f32 $0xffff, v61, v61;
	v5 =	vsel vm0, v19, v5  }
0x19b: {  	v51 =	vsub.f32 v23, v1;
	v30 =	vsub.f32 v52, v1;
	(xrf1) =	vsort.dscd.msk.f32 $0xffff, v5, v5  }
0x19c: {  	v59 =	vld [tilespmem:s31+$0x80];
	v1 =	vsub.f32 v28, v1;
	v5 =	vsub.f32 v25, v8;
	v25 =	vmovc v50;
	(xrf1) =	vsort.dscd.msk.f32 $0xffff, v16, v16  }
0x19d: {  	v8 =	vsub.f32 v60, v8;
	v16, _, _ =	vpop (xrf1);
	(xrf1) =	vsort.dscd.msk.f32 $0xffff, v25, v25  }
0x19e: {  	v6 =	vsel vm0, v57, v6;
	v23 =	vld [tilespmem:s31+$0xA0];
	v22, _, _ =	vpop (xrf1);
	v16 =	vsel vm0, v16, v34;
	(xrf1) =	vsort.ascd.msk.f32 $0xffff, v17, v17  }
0x19f: {  	v37 =	vld [tilespmem:s31+$0xFFFFFF10];
	v2 =	vmax.f32 v2, v8;
	v8 =	vsel vm0, v63, v22;
	(xrf1) =	vsort.ascd.msk.f32 $0xffff, v16, v16  }
0x1a0: {  	v19 =	vmov v61;
	v61 =	vld [tilespmem:s31+$0x10];
	v28 =	vmax.f32 v2, v1;
	v1, _, _ =	vpop (xrf1);
	v16 =	vmax.f32 v38, v55;
	(xrf1) =	vsort.ascd.msk.f32 $0xffff, v8, v8  }
0x1a1: {  	v0 =	vmax.f32 v3, v0;
	v38 =	vld [tilespmem:s31+$0xFFFFFF00];
	v2 =	vmax.f32 v16, v5;
	v5, _, _ =	vpop (xrf1);
	(xrf1) =	vsort.dscd.msk.f32 $0xffff, v59, v59  }
0x1a2: {  	v3 =	vperm.xlane v49, v7;
	v8 =	vmax.f32 v2, v30;
	v30 =	vld [tilespmem:s31+$0x0];
	v50, _, _ =	vpop (xrf1);
	(xrf1) =	vsort.dscd.msk.f32 $0xffff, v6, v6  }
0x1a3: {  	v0 =	vmax.f32 v0, v26;
	v34 =	vld [tilespmem:s31+$0x20];
	v63 =	vperm.xlane v53, v7;
	v6, _, _ =	vpop (xrf1);
	(xrf1) =	vsort.dscd.msk.f32 $0xffff, v23, v23  }
0x1a4: {  	v4 =	vmax.f32 v4, v51;
	v26 =	vld [tilespmem:s31+$0xB0];
	v0 =	vmax.f32 v0, v24;
	v51, _, _ =	vpop (xrf1);
	(xrf1) =	vsort.ascd.msk.f32 $0xffff, v37, v37  }
0x1a5: {  	v49 =	vsub.f32 v31, v63;
	v16 =	vsub.f32 v47, v3;
	v24, _, _ =	vpop (xrf1);
	(xrf1) =	vsort.ascd.msk.f32 $0xffff, v61, v61  }
0x1a6: {  	s16 =	simm.s32 $0x500;
	v22 =	vmov v59;
	v31 =	vsub.f32 v41, v3;
	v59 =	vsub.f32 v46, v3;
	v46, _, _ =	vpop (xrf1);
	(xrf1) =	vsort.dscd.msk.f32 $0xffff, v38, v38  }
0x1a7: {  	v2 =	vld [tilespmem:s16+$0x90];
	v3 =	vsub.f32 v18, v3;
	v6 =	vsel vm0, v24, v6;
	v18, _, _ =	vpop (xrf1);
	(xrf1) =	vsort.dscd.msk.f32 $0xffff, v30, v30  }
0x1a8: {  	v13 =	vmov v20;
	v20 =	vmov v61;
	v0 =	vmax.f32 v0, v16;
	v16 =	vld [tilespmem:s16+$0xFFFFFF30];
	v61, _, _ =	vpop (xrf1);
	(xrf1) =	vsort.dscd.msk.f32 $0xffff, v34, v34  }
0x1a9: {  	v57 =	vld [tilespmem:$0x1FE00];
	(xrf1) =	vsort.ascd.msk.f32 $0xffff, v26, v26;
	v24, _, _ =	vpop (xrf1)  }
0x1aa: {  	v60 =	vmax.f32 v4, v31;
	v4 =	vld [tilespmem:s16+$0x30];
	(xrf1) =	vsort.ascd.msk.f32 $0xffff, v6, v6;
	v6, _, _ =	vpop (xrf1)  }
0x1ab: {  	v32 =	vsub.f32 v32, v63;
	v53 =	vsub.f32 v45, v63;
	v31 =	vld [tilespmem:s16+$0xFFFFFFA0];
	v6 =	vsel vm0, v6, v18  }
0x1ac: {  	v3 =	vmax.f32 v28, v3;
	v28 =	vsub.f32 v42, v63;
	[tilespmem:$0x1FE10] =	vst v2;
	(xrf1) =	vsort.ascd.msk.f32 $0xffff, v2, v2;
	v63, _, _ =	vpop (xrf1);
	v2 =	vld [tilespmem:$0x1FE20]  }
0x1ad: {  	(xrf1) =	vsort.ascd.msk.f32 $0xffff, v16, v16;
	v18, _, _ =	vpop (xrf1)  }
0x1ae: {  	v58 =	vperm.xlane v57, v7;
	v8 =	vmax.f32 v8, v59;
	(xrf1) =	vsort.ascd.msk.f32 $0xffff, v6, v6;
	v6, _, _ =	vpop (xrf1)  }
0x1af: {  	v10 =	vmax.f32 v60, v49;
	v59 =	vsel vm0, v51, v61;
	(xrf1) =	vsort.ascd.msk.f32 $0xffff, v4, v4;
	v60, _, _ =	vpop (xrf1)  }
0x1b0: {  	v9 =	vsub.f32 v44, v58;
	v40 =	vld [tilespmem:s16+$0xFFFFFF20];
	(xrf1) =	vsort.ascd.msk.f32 $0xffff, v59, v59;
	v51, _, _ =	vpop (xrf1)  }
0x1b1: {  	[tilespmem:$0x1FE30] =	vst v4;
	v18 =	vsel vm0, v63, v18;
	v11 =	vperm.xlane v2, v7;
	(xrf1) =	vsort.dscd.msk.f32 $0xffff, v31, v31;
	v2 =	vld [tilespmem:$0x1FF20];
	v61, _, _ =	vpop (xrf1)  }
0x1b2: {  	v3 =	vmax.f32 v3, v32;
	v32 =	vld [tilespmem:s16+$0xFFFFFFB0];
	(xrf1) =	vsort.dscd.msk.f32 $0xffff, v18, v18;
	v18 =	vsel vm0, v61, v60  }
0x1b3: {  	v39 =	vsub.f32 v39, v58  }
0x1b4: {  	v36 =	vsub.f32 v36, v58;
	v44 =	vmax.f32 v10, v9;
	v49, _, _ =	vpop (xrf1);
	(xrf1) =	vsort.ascd.msk.f32 $0xffff, v18, v18  }
0x1b5: {  	v5 =	vsel vm0, v46, v5;
	v29 =	vsub.f32 v29, v11;
	(xrf1) =	vsort.dscd.msk.f32 $0xffff, v40, v40;
	v18, _, _ =	vpop (xrf1)  }
0x1b6: {  	v6 =	vsel vm0, v24, v6;
	v63 =	vsub.f32 v2, v58;
	(xrf1) =	vsort.ascd.msk.f32 $0xffff, v5, v5;
	v58, _, _ =	vpop (xrf1)  }
0x1b7: {  	v45 =	vld [tilespmem:s16+$0xFFFFFF80];
	v42 =	vmax.f32 v44, v29;
	v29 =	vsub.f32 v48, v11;
	(xrf1) =	vsort.ascd.msk.f32 $0xffff, v32, v32;
	v59, _, _ =	vpop (xrf1)  }
0x1b8: {  	v41 =	vld [tilespmem:s16+$0xFFFFFF90];
	v5 =	vmax.f32 v8, v28;
	v3 =	vmax.f32 v3, v63;
	(xrf1) =	vsort.ascd.msk.f32 $0xffff, v6, v6;
	v8, _, _ =	vpop (xrf1)  }
0x1b9: {  	v60 =	vmax.f32 v3, v29;
	v3 =	vsel vm0, v59, v18;
	v8 =	vsel vm0, v8, v58  }
0x1ba: {  	v0 =	vmax.f32 v0, v53;
	v33 =	vsub.f32 v33, v11;
	v2 =	vld [tilespmem:$0x1FF00];
	v24, _, _ =	vpop (xrf1);
	(xrf1) =	vsort.dscd.msk.f32 $0xffff, v8, v8  }
0x1bb: {  	v0 =	vmax.f32 v0, v39;
	v29 =	vld [tilespmem:s16+$0x80];
	v6, _, _ =	vpop (xrf1);
	(xrf1) =	vsort.dscd.msk.f32 $0xffff, v3, v3  }
0x1bc: {  	v53 =	vmax.f32 v0, v33;
	v3, _, _ =	vpop (xrf1);
	(xrf1) =	vsort.dscd.msk.f32 $0xffff, v45, v45  }
0x1bd: {  	v61 =	vperm.xlane v3, v7;
	v3 =	vsel vm0, v24, v50;
	(xrf1) =	vsort.ascd.msk.f32 $0xffff, v41, v41  }
0x1be: {  	v5 =	vmax.f32 v5, v36;
	v0 =	vsel vm0, v49, v6;
	v39, _, _ =	vpop (xrf1);
	(xrf1) =	vsort.ascd.msk.f32 $0xffff, v3, v3  }
0x1bf: {  	v57 =	vsub.f32 v2, v11;
	v18, _, _ =	vpop (xrf1);
	(xrf1) =	vsort.ascd.msk.f32 $0xffff, v0, v0  }
0x1c0: {  	v1 =	vsel vm0, v51, v1;
	v2 =	vld [tilespmem:$0x1FE40];
	v3, _, _ =	vpop (xrf1);
	(xrf1) =	vsort.dscd.msk.f32 $0xffff, v29, v29  }
0x1c1: {  	v57 =	vmax.f32 v5, v57;
	v5, _, _ =	vpop (xrf1);
	(xrf1) =	vsort.dscd.msk.f32 $0xffff, v1, v1;
	v1 =	vld [tilespmem:$0x1FE50];
	_ =	sdelay $0x1  }
0x1c2: {  	v46 =	vld [tilespmem:s16+$0xFFFFFF10]  }
0x1c3: {  	v33 =	vld [tilespmem:s16+$0x10];
	v0 =	vperm.xlane v3, v7;
	v6, _, _ =	vpop (xrf1)  }
0x1c4: {  	v28 =	vld [tilespmem:s16+$0xA0];
	v3, _, _ =	vpop (xrf1)  }
0x1c5: {  	v58 =	vsub.f32 v2, v61;
	v2 =	vld [tilespmem:$0x1FE60];
	v51 =	vsub.f32 v1, v0;
	v1, _, _ =	vpop (xrf1)  }
0x1c6: {  	v6 =	vsel vm0, v1, v6;
	v1 =	vld [tilespmem:$0x1FE70];
	_ =	sdelay $0x1  }
0x1c7: {  	v47 =	vld [tilespmem:s16+$0xFFFFFF00]  }
0x1c8: {  	v44 =	vld [tilespmem:s16+$0x20];
	v59 =	vsub.f32 v54, v61  }
0x1c9: {  	v36 =	vld [tilespmem:s16+$0x0];
	v52 =	vsub.f32 v56, v0;
	(xrf1) =	vsort.dscd.msk.f32 $0xffff, v28, v28;
	v63 =	vsub.f32 v62, v0  }
0x1ca: {  	s15 =	simm.s32 $0x8;
	v48 =	vld [tilespmem:s16+$0xB0];
	s16 =	simm.s32 $0x700;
	(xrf1) =	vsort.ascd.msk.f32 $0xffff, v46, v46;
	v55 =	vsub.f32 v2, v61;
	v56, _, _ =	vpop (xrf1);
	v62 =	vsub.f32 v1, v0;
	v0 =	vmov v33  }
.LBB2_6:
0x1cb: {  	_ = 	snop  }
0x1cc: {  	v2, _, _ =	vpop (xrf1);
	(xrf1) =	vsort.ascd.msk.f32 $0xffff, v33, v0;
	v1 =	vmov v38;
	v38 =	vmov v47  }
0x1cd: {  	v49 =	vmov v13;
	v13 =	vmov v40;
	v0 =	vmax.f32 v42, v51;
	v42 =	vld [tilespmem:s16+$0x90];
	v40, _, _ =	vpop (xrf1);
	(xrf1) =	vsort.dscd.msk.f32 $0xffff, v38, v47  }
0x1ce: {  	v8 =	vmov v16;
	v16 =	vld [tilespmem:s16+$0xFFFFFF30];
	v9, _, _ =	vpop (xrf1);
	(xrf1) =	vsort.dscd.msk.f32 $0xffff, v36, v36  }
0x1cf: {  	v7 =	vsub.f32 v14, v61;
	v61 =	vld [tilespmem:s16+$0x30];
	v10, _, _ =	vpop (xrf1);
	(xrf1) =	vsort.dscd.msk.f32 $0xffff, v44, v44  }
0x1d0: {  	v52 =	vmax.f32 v53, v52;
	v12 =	vmov v25;
	v25 =	vmov v45;
	v4 =	vld [tilespmem:$0x1FDB0];
	v45, _, _ =	vpop (xrf1);
	(xrf1) =	vsort.ascd.msk.f32 $0xffff, v48, v48  }
0x1d1: {  	v53 =	vmax.f32 v60, v62;
	v50 =	vmov v17;
	v17 =	vmov v41;
	v62 =	vld [tilespmem:s16+$0xFFFFFFA0];
	v11, _, _ =	vpop (xrf1);
	(xrf1) =	vsort.ascd.msk.f32 $0xffff, v6, v6  }
0x1d2: {  	v14 =	vimm.s32 $0x8;
	v41 =	vsel vm0, v11, v40;
	v11 =	vld [tilespmem:$0x1FDC0];
	v6 =	vmax.f32 v57, v63;
	v57, _, _ =	vpop (xrf1);
	(xrf1) =	vsort.ascd.msk.f32 $0xffff, v42, v42  }
0x1d3: {  	v3 =	vsel vm0, v3, v9;
	v60 =	vperm.xlane v10, v14;
	v63, _, _ =	vpop (xrf1);
	(xrf1) =	vsort.ascd.msk.f32 $0xffff, v16, v16  }
0x1d4: {  	v2 =	vsel vm0, v2, v18;
	v10 =	vmov v22;
	v57 =	vsel vm0, v57, v63;
	v63, _, _ =	vpop (xrf1);
	(xrf1) =	vsort.ascd.msk.f32 $0xffff, v41, v41  }
0x1d5: {  	v9 =	vsub.f32 v4, v60;
	v4 =	vmov v30;
	v43 =	vsub.f32 v43, v60;
	v18, _, _ =	vpop (xrf1);
	(xrf1) =	vsort.ascd.msk.f32 $0xffff, v61, v61  }
0x1d6: {  	v59 =	vmax.f32 v0, v59;
	v22 =	vmov v29;
	[tilespmem:$0x1FDB0] =	vst v4;
	v4 =	vld [tilespmem:$0x1FDA0];
	(xrf1) =	vsort.ascd.msk.f32 $0xffff, v3, v3;
	v3, _, _ =	vpop (xrf1)  }
0x1d7: {  	[tilespmem:$0x1FDA0] =	vst v10;
	v43 =	vmax.f32 v59, v43;
	v59 =	vld [tilespmem:$0x1FD80];
	v10 =	vmov v11;
	(xrf1) =	vsort.dscd.msk.f32 $0xffff, v62, v62;
	v29, _, _ =	vpop (xrf1)  }
0x1d8: {  	[tilespmem:$0x1FD80] =	vst v10;
	v10 =	vld [tilespmem:$0x1FE10];
	(xrf1) =	vsort.dscd.msk.f32 $0xffff, v57, v57;
	v11, _, _ =	vpop (xrf1);
	v18 =	vsel vm0, v29, v18  }
0x1d9: {  	v57 =	vsel vm0, v45, v63;
	v63, _, _ =	vpop (xrf1);
	(xrf1) =	vsort.ascd.msk.f32 $0xffff, v18, v18;
	v18 =	vmax.f32 v53, v58;
	v58 =	vld [tilespmem:$0x1FD90];
	_ =	sdelay $0x2  }
0x1da: {  	v40 =	vld [tilespmem:s16+$0xFFFFFF20]  }
0x1db: {  	v54 =	vmov v39;
	v39 =	vmov v15;
	v15 =	vmov v26  }
0x1dc: {  	v26 =	vmovc v48;
	v48 =	vperm.xlane v56, v14;
	v56 =	vld [tilespmem:s16+$0xFFFFFFB0];
	v21 =	vmovc v10;
	v10 =	vsub.f32 v58, v60;
	v58 =	vmov v42;
	_ =	sdelay $0x1  }
0x1dd: {  	[tilespmem:$0x1FDC0] =	vst v21;
	v21 =	vmax.f32 v18, v10;
	v18 =	vld [tilespmem:$0x1FDE0]  }
0x1de: {  	v35 =	vsub.f32 v35, v60;
	v27 =	vsub.f32 v27, v48;
	(xrf1) =	vsort.dscd.msk.f32 $0xffff, v40, v40;
	[tilespmem:$0x1FE10] =	vst v58;
	v58, _, _ =	vpop (xrf1)  }
0x1df: {  	v4 =	vsub.f32 v4, v48;
	v59 =	vsub.f32 v59, v48;
	v60, _, _ =	vpop (xrf1);
	(xrf1) =	vsort.ascd.msk.f32 $0xffff, v2, v2  }
0x1e0: {  	v45 =	vld [tilespmem:s16+$0xFFFFFF80];
	v42 =	vmax.f32 v43, v27;
	v27 =	vsub.f32 v39, v48;
	(xrf1) =	vsort.ascd.msk.f32 $0xffff, v56, v56;
	v48, _, _ =	vpop (xrf1)  }
0x1e1: {  	v41 =	vld [tilespmem:s16+$0xFFFFFF90];
	v2 =	vmax.f32 v6, v55;
	v55, _, _ =	vpop (xrf1);
	(xrf1) =	vsort.ascd.msk.f32 $0xffff, v57, v57  }
0x1e2: {  	v43 =	vmovc v18;
	v18 =	vsel vm0, v60, v63;
	v60 =	vmax.f32 v21, v27;
	v21 =	vsel vm0, v48, v58  }
0x1e3: {  	v2 =	vmax.f32 v2, v35;
	v57 =	vmov v61;
	v6, _, _ =	vpop (xrf1);
	(xrf1) =	vsort.dscd.msk.f32 $0xffff, v21, v21  }
0x1e4: {  	v53 =	vld [tilespmem:$0x1FE30];
	[tilespmem:$0x1FE30] =	vst v57;
	v57 =	vmax.f32 v2, v59;
	v2 =	vsel vm0, v11, v6;
	v6, _, _ =	vpop (xrf1);
	(xrf1) =	vsort.dscd.msk.f32 $0xffff, v18, v18  }
0x1e5: {  	v39, _, _ =	vpop (xrf1);
	(xrf1) =	vsort.dscd.msk.f32 $0xffff, v45, v45  }
0x1e6: {  	v5 =	vsel vm0, v55, v5;
	v18, _, _ =	vpop (xrf1);
	(xrf1) =	vsort.ascd.msk.f32 $0xffff, v41, v41  }
0x1e7: {  	(xrf1) =	vsort.ascd.msk.f32 $0xffff, v5, v5;
	v5 =	vld [tilespmem:$0x1FDF0];
	_ =	sdelay $0x2  }
0x1e8: {  	v61 =	vperm.xlane v6, v14;
	v6 =	vmax.f32 v52, v7  }
0x1e9: {  	v7, _, _ =	vpop (xrf1)  }
0x1ea: {  	v51 =	vld [tilespmem:s16+$0x80];
	v27 =	vmov v53;
	v59 =	vsub.f32 v5, v61;
	v5, _, _ =	vpop (xrf1)  }
0x1eb: {  	v0 =	vld [tilespmem:s16+$0x10];
	v58 =	vmax.f32 v6, v9;
	(xrf1) =	vsort.ascd.msk.f32 $0xffff, v2, v2;
	v2 =	vperm.xlane v7, v14;
	v6, _, _ =	vpop (xrf1)  }
0x1ec: {  	v53 =	vmax.f32 v58, v4;
	v4 =	vsel vm0, v3, v54;
	v3, _, _ =	vpop (xrf1)  }
0x1ed: {  	[tilespmem:$0x1FDE0] =	vst v27;
	v27 =	vmov v23;
	v23 =	vmov v28;
	v28 =	vld [tilespmem:s16+$0xA0];
	v52 =	vsub.f32 v1, v2;
	v1, _, _ =	vpop (xrf1)  }
0x1ee: {  	s15 =	sadd.s32 $0x4, s15;
	v6 =	vsel vm0, v1, v6;
	v1 =	vld [tilespmem:$0x1FDD0]  }
0x1ef: {  	v24 =	vmov v46;
	v46 =	vld [tilespmem:s16+$0xFFFFFF10];
	p0 =	slt.u32 s15, $0xFC;
	v30 =	vmov v36;
	v29 =	vmov v51  }
.Ltmp2:
0x1f0: {  	v35 =	vmovc v20;
	v20 =	vmovc v33;
	v33 =	vmov v0;
	v63 =	vmov v31;
	v31 =	vmov v62;
	[tilespmem:$0x1FD90] =	vst v43;
	(pc) =	sbr.rel @p0 .LBB2_6-.Ltmp2, $4  }
0x1f1: {  	v47 =	vld [tilespmem:s16+$0xFFFFFF00];
	v43 =	vmovc v34;
	v34 =	vmov v44;
	v58 =	vsub.f32 v19, v61;
	v19 =	vmov v32;
	(xrf1) =	vsort.dscd.msk.f32 $0xffff, v29, v51  }
0x1f2: {  	v36 =	vld [tilespmem:s16+$0x0];
	v32 =	vmovc v56;
	v55 =	vsub.f32 v50, v61;
	[tilespmem:$0x1FDF0] =	vst v63;
	v14 =	vmov v12;
	(xrf1) =	vsort.dscd.msk.f32 $0xffff, v4, v4  }
0x1f3: {  	v48 =	vld [tilespmem:s16+$0xB0];
	v51 =	vsub.f32 v49, v2;
	(xrf1) =	vsort.dscd.msk.f32 $0xffff, v28, v28;
	v62 =	vsub.f32 v1, v2;
	v1 =	vmov v8  }
0x1f4: {  	v44 =	vld [tilespmem:s16+$0x20];
	s16 =	sadd.s32 $0x200, s16;
	v63 =	vsub.f32 v37, v2;
	v37 =	vmov v24;
	(xrf1) =	vsort.ascd.msk.f32 $0xffff, v46, v46;
	v56, _, _ =	vpop (xrf1);
	[tilespmem:$0x1FDD0] =	vst v1  }
0x1f5: {  	v1, _, _ =	vpop (xrf1)  }
0x1f6: {  	(xrf1) =	vsort.ascd.msk.f32 $0xffff, v33, v0;
	v0, _, _ =	vpop (xrf1)  }
0x1f7: {  	(xrf1) =	vsort.dscd.msk.f32 $0xffff, v47, v47;
	v2, _, _ =	vpop (xrf1)  }
0x1f8: {  	(xrf1) =	vsort.dscd.msk.f32 $0xffff, v36, v36;
	v4, _, _ =	vpop (xrf1)  }
0x1f9: {  	v7, _, _ =	vpop (xrf1)  }
0x1fa: {  	v8, _, _ =	vpop (xrf1)  }
0x1fb: {  	(xrf1) =	vsort.dscd.msk.f32 $0xffff, v44, v44;
	v9, _, _ =	vpop (xrf1)  }
0x1fc: {  	(xrf1) =	vsort.ascd.msk.f32 $0xffff, v48, v48;
	v11, _, _ =	vpop (xrf1)  }
0x1fd: {  	v24, _, _ =	vpop (xrf1)  }
0x1fe: {  	v0 =	vsel vm0, v8, v0;
	v49, _, _ =	vpop (xrf1)  }
0x1ff: {  	v2 =	vsel vm0, v3, v2;
	v50, _, _ =	vpop (xrf1);
	(xrf1) =	vsort.ascd.msk.f32 $0xffff, v6, v6  }
0x200: {  	v6, _, _ =	vpop (xrf1);
	(xrf1) =	vsort.ascd.msk.f32 $0xffff, v0, v0  }
0x201: {  	v3 =	vsel vm0, v9, v11;
	v0, _, _ =	vpop (xrf1);
	(xrf1) =	vsort.ascd.msk.f32 $0xffff, v2, v2  }
0x202: {  	v2, _, _ =	vpop (xrf1);
	(xrf1) =	vsort.dscd.msk.f32 $0xffff, v3, v3;
	v3 =	vsel vm0, v6, v49  }
0x203: {  	v1 =	vsel vm0, v1, v18  }
0x204: {  	v6, _, _ =	vpop (xrf1)  }
0x205: {  	(xrf1) =	vsort.ascd.msk.f32 $0xffff, v3, v3;
	v3, _, _ =	vpop (xrf1)  }
0x206: {  	(xrf1) =	vsort.ascd.msk.f32 $0xffff, v1, v1;
	v1, _, _ =	vpop (xrf1)  }
0x207: {  	v7 =	vsel vm0, v7, v24;
	v1 =	vsel vm0, v1, v6  }
0x208: {  	(xrf1) =	vsort.ascd.msk.f32 $0xffff, v7, v7  }
0x209: {  	v2 =	vsel vm0, v3, v2;
	v3, _, _ =	vpop (xrf1);
	(xrf1) =	vsort.dscd.msk.f32 $0xffff, v1, v1  }
0x20a: {  	(xrf1) =	vsort.dscd.msk.f32 $0xffff, v2, v2;
	v2 =	vsel vm0, v3, v5;
	v1, _, _ =	vpop (xrf1)  }
0x20b: {  	(xrf1) =	vsort.ascd.msk.f32 $0xffff, v2, v2;
	v0 =	vsel vm0, v0, v1  }
0x20c: {  	(xrf1) =	vsort.ascd.msk.f32 $0xffff, v0, v0;
	v0 =	vsel vm0, v50, v39  }
0x20d: {  	(xrf1) =	vsort.dscd.msk.f32 $0xffff, v0, v0;
	_ =	sdelay $0x2  }
0x20e: {  	v0, _, _ =	vpop (xrf1)  }
0x20f: {  	v2, _, _ =	vpop (xrf1)  }
0x210: {  	v3, _, _ =	vpop (xrf1)  }
0x211: {  	v5, _, _ =	vpop (xrf1)  }
0x212: {  	v1, _, _ =	vpop (xrf1)  }
0x213: {  	v6, _, _ =	vpop (xrf1)  }
0x214: {  	v8, _, _ =	vpop (xrf1)  }
0x215: {  	v7, _, _ =	vpop (xrf1)  }
0x216: {  	v9, _, _ =	vpop (xrf1)  }
0x217: {  	v11, _, _ =	vpop (xrf1)  }
0x218: {  	v3 =	vsel vm0, v5, v3;
	v5, _, _ =	vpop (xrf1)  }
0x219: {  	(xrf1) =	vsort.ascd.msk.f32 $0xffff, v3, v3;
	v3 =	vsel vm0, v9, v6;
	v6, _, _ =	vpop (xrf1)  }
0x21a: {  	(xrf1) =	vsort.ascd.msk.f32 $0xffff, v3, v3;
	v3 =	vsel vm0, v6, v5  }
0x21b: {  	v5 =	vsel vm0, v7, v11;
	(xrf1) =	vsort.ascd.msk.f32 $0xffff, v3, v3  }
0x21c: {  	(xrf1) =	vsort.ascd.msk.f32 $0xffff, v5, v5;
	_ =	sdelay $0xa  }
0x21d: {  	v49, _, _ =	vpop (xrf1)  }
0x21e: {  	v50, _, _ =	vpop (xrf1)  }
0x21f: {  	v3, _, _ =	vpop (xrf1)  }
0x220: {  	[tilespmem:$0x1FD50] =	vst v3;
	v3, _, _ =	vpop (xrf1)  }
0x221: {  	[tilespmem:$0x1FD40] =	vst v3  }
0x222: {  	_ =	swait.ge [sflag:s11], $0x8000  }
0x223: {  	[sflag:s11] =	ssyncset.done $0x0  }
0x224: {  	s15 =	simm.s32 $0x8100;
	[sflag:s11] =	ssyncadd.s32 $0xFFFF8000  }
0x225: {  	v6 =	vld [tilespmem:s15+$0xFFFFFF20]  }
0x226: {  	v3 =	vld [tilespmem:s15+$0x90];
	_ =	sdelay $0x1  }
0x227: {  	v24 =	vld [tilespmem:s15+$0xFFFFFF30]  }
0x228: {  	v5 =	vld [tilespmem:s15+$0x30]  }
0x229: {  	v54 =	vld [tilespmem:s15+$0xFFFFFFA0];
	[tilespmem:$0x1FD70] =	vst v6  }
0x22a: {  	[tilespmem:$0x1FCB0] =	vst v3  }
0x22b: {  	v7 =	vld [tilespmem:s15+$0xFFFFFFB0];
	_ =	sdelay $0x4  }
0x22c: {  	(xrf1) =	vsort.ascd.msk.f32 $0xffff, v3, v3;
	[tilespmem:$0x1FD60] =	vst v7  }
0x22d: {  	(xrf1) =	vsort.ascd.msk.f32 $0xffff, v24, v24;
	v9 =	vld [tilespmem:s15+$0xFFFFFF80];
	[tilespmem:$0x1FCC0] =	vst v5  }
0x22e: {  	(xrf1) =	vsort.ascd.msk.f32 $0xffff, v5, v5;
	v12 =	vld [tilespmem:s15+$0xFFFFFF90]  }
0x22f: {  	(xrf1) =	vsort.dscd.msk.f32 $0xffff, v54, v54;
	v10 =	vld [tilespmem:s15+$0x80]  }
0x230: {  	v18 =	vimm.s32 $0x8;
	(xrf1) =	vsort.dscd.msk.f32 $0xffff, v6, v6;
	v39 =	vld [tilespmem:s15+$0xA0]  }
0x231: {  	v4 =	vperm.xlane v4, v18;
	v3 =	vmax.f32 v53, v52;
	(xrf1) =	vsort.ascd.msk.f32 $0xffff, v7, v7;
	v53 =	vld [tilespmem:s15+$0xFFFFFF10]  }
0x232: {  	v5 =	vmax.f32 v42, v51;
	v42 =	vld [tilespmem:s15+$0x10];
	(xrf1) =	vsort.dscd.msk.f32 $0xffff, v9, v9  }
0x233: {  	v11 =	vsub.f32 v43, v4;
	v43 =	vld [tilespmem:s15+$0xFFFFFF00];
	(xrf1) =	vsort.ascd.msk.f32 $0xffff, v12, v12  }
0x234: {  	[tilespmem:$0x1FCD0] =	vst v10;
	(xrf1) =	vsort.dscd.msk.f32 $0xffff, v10, v10;
	v10 =	vld [tilespmem:$0x1FDB0];
	_ =	sdelay $0x3  }
0x235: {  	v5 =	vmax.f32 v5, v59  }
0x236: {  	v5 =	vmax.f32 v5, v11;
	v11 =	vsub.f32 v10, v4;
	v10 =	vld [tilespmem:$0x1FD90];
	_ =	sdelay $0x1  }
0x237: {  	v7 =	vsub.f32 v14, v61;
	v61 =	vperm.xlane v56, v18;
	_ =	sdelay $0x1  }
0x238: {  	v14 =	vmovc v9;
	v9 =	vmax.f32 v57, v63;
	v63 =	vmov v12;
	v12 =	vsub.f32 v27, v61  }
0x239: {  	v27 =	vsub.f32 v35, v4;
	v4 =	vsub.f32 v10, v4;
	v10 =	vld [tilespmem:$0x1FDA0];
	_ =	sdelay $0x4  }
0x23a: {  	v6 =	vmax.f32 v60, v62;
	v62 =	vsub.f32 v10, v61;
	v10 =	vld [tilespmem:$0x1FD80];
	_ =	sdelay $0x2  }
0x23b: {  	v21 =	vld [tilespmem:s15+$0x0]  }
0x23c: {  	v6 =	vmax.f32 v6, v58  }
0x23d: {  	(xrf1) =	vsort.dscd.msk.f32 $0xffff, v39, v39;
	v56 =	vsub.f32 v10, v61;
	v10 =	vsub.f32 v15, v61  }
0x23e: {  	(xrf1) =	vsort.ascd.msk.f32 $0xffff, v53, v53;
	v4 =	vmax.f32 v6, v4  }
0x23f: {  	(xrf1) =	vsort.ascd.msk.f32 $0xffff, v42, v42;
	v4 =	vmax.f32 v4, v10;
	v10 =	vld [tilespmem:$0x1FDD0]  }
0x240: {  	v2 =	vperm.xlane v2, v18;
	v9 =	vmax.f32 v9, v55;
	v35 =	vld [tilespmem:s15+$0x20];
	(xrf1) =	vsort.dscd.msk.f32 $0xffff, v43, v43;
	[tilespmem:$0x1FCE0] =	vst v21  }
0x241: {  	s31 =	simm.s32 $0x8300;
	v3 =	vmax.f32 v3, v7;
	v9 =	vmax.f32 v9, v27;
	(xrf1) =	vsort.dscd.msk.f32 $0xffff, v21, v21;
	v21 =	vld [tilespmem:s15+$0xB0]  }
0x242: {  	v3 =	vmax.f32 v3, v11;
	v11 =	vld [tilespmem:s31+$0x90];
	v6, _, _ =	vpop (xrf1)  }
0x243: {  	v38 =	vsub.f32 v38, v2;
	v37 =	vsub.f32 v37, v2;
	v60 =	vld [tilespmem:s31+$0xFFFFFF30];
	v27, _, _ =	vpop (xrf1)  }
0x244: {  	v7 =	vmax.f32 v9, v56;
	v9 =	vmovc v23;
	v23 =	vsub.f32 v13, v2;
	v2 =	vsub.f32 v10, v2;
	v10 =	vld [tilespmem:$0x1FDF0]  }
0x245: {  	v5 =	vmax.f32 v5, v12;
	(xrf1) =	vsort.dscd.msk.f32 $0xffff, v35, v35;
	v12 =	vld [tilespmem:s31+$0x30];
	v51, _, _ =	vpop (xrf1)  }
0x246: {  	(xrf1) =	vsort.ascd.msk.f32 $0xffff, v21, v21;
	v59, _, _ =	vpop (xrf1)  }
0x247: {  	v0 =	vperm.xlane v0, v18;
	[tilespmem:$0x1FCF0] =	vst v21;
	(xrf1) =	vsort.ascd.msk.f32 $0xffff, v11, v11;
	v55, _, _ =	vpop (xrf1);
	v3 =	vmax.f32 v3, v62  }
0x248: {  	(xrf1) =	vsort.ascd.msk.f32 $0xffff, v60, v60;
	v38 =	vmax.f32 v3, v38;
	v13 =	vld [tilespmem:s31+$0xFFFFFFA0];
	v3 =	vmax.f32 v5, v23;
	v5, _, _ =	vpop (xrf1)  }
0x249: {  	[tilespmem:$0x1FD00] =	vst v11;
	v2 =	vmax.f32 v4, v2;
	v4 =	vsel vm0, v59, v5;
	v5, _, _ =	vpop (xrf1);
	v23 =	vsub.f32 v10, v0  }
0x24a: {  	v8 =	vperm.xlane v8, v18;
	(xrf1) =	vsort.ascd.msk.f32 $0xffff, v12, v12;
	v62 =	vsub.f32 v19, v0;
	v15 =	vld [tilespmem:s31+$0xFFFFFF20];
	v61, _, _ =	vpop (xrf1)  }
0x24b: {  	v11 =	vmov v25;
	v25 =	vsub.f32 v17, v0;
	[tilespmem:$0x1FD10] =	vst v12;
	v57, _, _ =	vpop (xrf1);
	v3 =	vmax.f32 v3, v23  }
0x24c: {  	(xrf1) =	vsort.ascd.msk.f32 $0xffff, v4, v4;
	v4 =	vsub.f32 v34, v8;
	v0 =	vsub.f32 v11, v0;
	v11 =	vld [tilespmem:s31+$0xFFFFFFB0];
	v59, _, _ =	vpop (xrf1)  }
0x24d: {  	v5 =	vsel vm0, v5, v61;
	(xrf1) =	vsort.dscd.msk.f32 $0xffff, v13, v13;
	v21, _, _ =	vpop (xrf1)  }
0x24e: {  	(xrf1) =	vsort.dscd.msk.f32 $0xffff, v5, v5;
	v4 =	vmax.f32 v3, v4;
	v3, _, _ =	vpop (xrf1)  }
0x24f: {  	v5 =	vsel vm0, v55, v27;
	(xrf1) =	vsort.dscd.msk.f32 $0xffff, v15, v15;
	v23, _, _ =	vpop (xrf1)  }
0x250: {  	[tilespmem:$0x1FD20] =	vst v13;
	(xrf1) =	vsort.ascd.msk.f32 $0xffff, v5, v5;
	v5 =	vsel vm0, v23, v21;
	v23, _, _ =	vpop (xrf1)  }
0x251: {  	v10 =	vld [tilespmem:s31+$0xFFFFFF80];
	(xrf1) =	vsort.ascd.msk.f32 $0xffff, v11, v11;
	v3 =	vsel vm0, v23, v3  }
0x252: {  	(xrf1) =	vsort.dscd.msk.f32 $0xffff, v3, v3;
	v3 =	vld [tilespmem:$0x1FDC0]  }
0x253: {  	(xrf1) =	vsort.dscd.msk.f32 $0xffff, v5, v5;
	v5 =	vld [tilespmem:$0x1FDE0]  }
0x254: {  	v1 =	vperm.xlane v1, v18;
	v12 =	vld [tilespmem:s31+$0xFFFFFF90]  }
0x255: {  	v37 =	vmax.f32 v7, v37;
	v7 =	vsub.f32 v20, v8  }
0x256: {  	v20 =	vsub.f32 v9, v1;
	v2 =	vmax.f32 v2, v62;
	v62 =	vsub.f32 v22, v1  }
0x257: {  	v61 =	vsub.f32 v30, v8;
	v27 =	vsub.f32 v3, v1  }
0x258: {  	v9 =	vld [tilespmem:s31+$0x80];
	[tilespmem:$0x1FD30] =	vst v10;
	(xrf1) =	vsort.dscd.msk.f32 $0xffff, v10, v10;
	v1 =	vsub.f32 v26, v1;
	v5 =	vsub.f32 v5, v8;
	v8, _, _ =	vpop (xrf1)  }
0x259: {  	v30 =	vld [tilespmem:s31+$0xFFFFFF00];
	(xrf1) =	vsort.ascd.msk.f32 $0xffff, v12, v12;
	v8 =	vsel vm0, v8, v51  }
0x25a: {  	v4 =	vmax.f32 v4, v20;
	v10 =	vld [tilespmem:s31+$0xA0];
	v20, _, _ =	vpop (xrf1);
	(xrf1) =	vsort.ascd.msk.f32 $0xffff, v8, v8;
	v8 =	vmax.f32 v37, v25  }
0x25b: {  	v22 =	vperm.xlane v50, v18;
	v23 =	vld [tilespmem:s31+$0xFFFFFF10];
	v2 =	vmax.f32 v2, v5;
	v5 =	vsel vm0, v59, v20  }
0x25c: {  	v6 =	vsel vm0, v57, v6;
	v20 =	vld [tilespmem:s31+$0x10];
	v2 =	vmax.f32 v2, v1;
	v1, _, _ =	vpop (xrf1);
	(xrf1) =	vsort.ascd.msk.f32 $0xffff, v5, v5  }
0x25d: {  	v57 =	vperm.xlane v49, v18;
	v5 =	vmax.f32 v8, v7;
	v7 =	vld [tilespmem:$0x1FD40];
	(xrf1) =	vsort.dscd.msk.f32 $0xffff, v9, v9;
	v8, _, _ =	vpop (xrf1)  }
0x25e: {  	v40 =	vsub.f32 v40, v22;
	v46 =	vsub.f32 v46, v22;
	v26 =	vld [tilespmem:s31+$0x0];
	(xrf1) =	vsort.dscd.msk.f32 $0xffff, v6, v6;
	v37, _, _ =	vpop (xrf1)  }
0x25f: {  	v16 =	vsub.f32 v16, v22;
	v5 =	vmax.f32 v5, v27;
	v27 =	vld [tilespmem:s31+$0x20];
	(xrf1) =	vsort.dscd.msk.f32 $0xffff, v10, v10;
	v58, _, _ =	vpop (xrf1)  }
0x260: {  	s16 =	simm.s32 $0x8500;
	v0 =	vmax.f32 v38, v0;
	v49 =	vsub.f32 v31, v57;
	v25 =	vld [tilespmem:s31+$0xB0];
	(xrf1) =	vsort.ascd.msk.f32 $0xffff, v23, v23;
	v50, _, _ =	vpop (xrf1)  }
0x261: {  	v31 =	vsub.f32 v47, v22;
	v32 =	vsub.f32 v32, v57;
	v6 =	vld [tilespmem:s16+$0x90];
	(xrf1) =	vsort.ascd.msk.f32 $0xffff, v20, v20;
	v59, _, _ =	vpop (xrf1)  }
0x262: {  	v0 =	vmax.f32 v0, v61;
	v38 =	vperm.xlane v7, v18;
	v7 =	vld [tilespmem:$0x1FD50];
	(xrf1) =	vsort.dscd.msk.f32 $0xffff, v30, v30;
	v51, _, _ =	vpop (xrf1)  }
0x263: {  	v41 =	vsub.f32 v41, v57;
	v0 =	vmax.f32 v0, v62;
	v22 =	vld [tilespmem:s16+$0xFFFFFF30];
	(xrf1) =	vsort.dscd.msk.f32 $0xffff, v26, v26;
	v61, _, _ =	vpop (xrf1)  }
0x264: {  	v0 =	vmax.f32 v0, v31;
	v4 =	vmax.f32 v4, v40;
	(xrf1) =	vsort.dscd.msk.f32 $0xffff, v27, v27;
	v40, _, _ =	vpop (xrf1)  }
0x265: {  	v2 =	vmax.f32 v2, v16;
	v16 =	vld [tilespmem:s16+$0x30];
	v31 =	vsel vm0, v59, v58;
	(xrf1) =	vsort.ascd.msk.f32 $0xffff, v25, v25;
	v47, _, _ =	vpop (xrf1)  }
0x266: {  	v56 =	vsub.f32 v45, v57;
	v4 =	vmax.f32 v4, v49;
	(xrf1) =	vsort.ascd.msk.f32 $0xffff, v31, v31;
	v31 =	vld [tilespmem:s16+$0xFFFFFFA0];
	v62, _, _ =	vpop (xrf1)  }
0x267: {  	v59 =	vsub.f32 v44, v38;
	v49 =	vperm.xlane v7, v18;
	v7 =	vld [tilespmem:$0x1FE30];
	(xrf1) =	vsort.ascd.msk.f32 $0xffff, v6, v6;
	v45, _, _ =	vpop (xrf1)  }
0x268: {  	v5 =	vmax.f32 v5, v46;
	v61 =	vsel vm0, v62, v61;
	(xrf1) =	vsort.ascd.msk.f32 $0xffff, v22, v22;
	v62, _, _ =	vpop (xrf1)  }
0x269: {  	v2 =	vmax.f32 v2, v32;
	v36 =	vsub.f32 v36, v38;
	(xrf1) =	vsort.ascd.msk.f32 $0xffff, v61, v61;
	v44, _, _ =	vpop (xrf1)  }
0x26a: {  	v34 =	vld [tilespmem:s16+$0xFFFFFF20];
	v52 =	vsub.f32 v33, v38;
	v40 =	vsel vm0, v50, v40;
	(xrf1) =	vsort.ascd.msk.f32 $0xffff, v16, v16;
	v50, _, _ =	vpop (xrf1)  }
0x26b: {  	v32 =	vld [tilespmem:s16+$0xFFFFFFB0];
	v4 =	vmax.f32 v4, v59;
	v28 =	vsub.f32 v28, v49;
	(xrf1) =	vsort.ascd.msk.f32 $0xffff, v40, v40;
	v59, _, _ =	vpop (xrf1)  }
0x26c: {  	v61 =	vsel vm0, v45, v62;
	v55 =	vsub.f32 v7, v38;
	v7 =	vld [tilespmem:$0x1FE10];
	(xrf1) =	vsort.dscd.msk.f32 $0xffff, v31, v31;
	v62, _, _ =	vpop (xrf1)  }
0x26d: {  	v8 =	vsel vm0, v51, v8;
	(xrf1) =	vsort.dscd.msk.f32 $0xffff, v61, v61;
	v58 =	vsel vm0, v62, v50;
	v40, _, _ =	vpop (xrf1)  }
0x26e: {  	v45 =	vmax.f32 v4, v28;
	v4 =	vsub.f32 v48, v49;
	(xrf1) =	vsort.ascd.msk.f32 $0xffff, v58, v58;
	v50, _, _ =	vpop (xrf1)  }
0x26f: {  	v29 =	vsub.f32 v29, v49;
	v2 =	vmax.f32 v2, v55;
	(xrf1) =	vsort.dscd.msk.f32 $0xffff, v34, v34;
	v62, _, _ =	vpop (xrf1)  }
0x270: {  	v38 =	vld [tilespmem:s16+$0xFFFFFF80];
	v55 =	vmax.f32 v2, v4;
	v28, _, _ =	vpop (xrf1);
	(xrf1) =	vsort.ascd.msk.f32 $0xffff, v8, v8;
	v8 =	vsel vm0, v47, v44  }
0x271: {  	v33 =	vld [tilespmem:s16+$0xFFFFFF90];
	v61 =	vsub.f32 v7, v49;
	(xrf1) =	vsort.ascd.msk.f32 $0xffff, v32, v32;
	v49, _, _ =	vpop (xrf1);
	v2 =	vsel vm0, v28, v50  }
0x272: {  	v5 =	vmax.f32 v5, v41;
	v41 =	vsel vm0, v49, v62;
	v51, _, _ =	vpop (xrf1);
	(xrf1) =	vsort.ascd.msk.f32 $0xffff, v8, v8  }
0x273: {  	v0 =	vmax.f32 v0, v56;
	(xrf1) =	vsort.dscd.msk.f32 $0xffff, v41, v41;
	v8, _, _ =	vpop (xrf1)  }
0x274: {  	v4 =	vmax.f32 v5, v52;
	v5 =	vsel vm0, v51, v37;
	(xrf1) =	vsort.dscd.msk.f32 $0xffff, v2, v2;
	v2, _, _ =	vpop (xrf1)  }
0x275: {  	v0 =	vmax.f32 v0, v36;
	v36 =	vld [tilespmem:s16+$0xFFFFFF10];
	(xrf1) =	vsort.dscd.msk.f32 $0xffff, v38, v38;
	v57, _, _ =	vpop (xrf1)  }
0x276: {  	v7 =	vld [tilespmem:$0x1FD70];
	v56, _, _ =	vpop (xrf1);
	(xrf1) =	vsort.ascd.msk.f32 $0xffff, v33, v33  }
0x277: {  	v28 =	vld [tilespmem:s16+$0x80];
	v62 =	vmax.f32 v0, v29;
	v0 =	vsel vm0, v40, v8;
	(xrf1) =	vsort.ascd.msk.f32 $0xffff, v5, v5;
	v5, _, _ =	vpop (xrf1)  }
0x278: {  	(xrf1) =	vsort.ascd.msk.f32 $0xffff, v0, v0;
	v0 =	vperm.xlane v5, v18;
	v5 =	vld [tilespmem:$0x1FD60]  }
0x279: {  	v58 =	vperm.xlane v2, v18;
	v2 =	vld [tilespmem:s16+$0xA0]  }
0x27a: {  	v46 =	vmax.f32 v4, v61;
	v4 =	vld [tilespmem:s16+$0x10]  }
0x27b: {  	v19 =	vmov v9;
	v1 =	vsel vm0, v59, v1;
	v41, _, _ =	vpop (xrf1)  }
0x27c: {  	v21 =	vmov v11;
	v29 =	vld [tilespmem:s16+$0x0];
	v47 =	vsub.f32 v54, v58;
	v48 =	vsub.f32 v63, v58;
	(xrf1) =	vsort.dscd.msk.f32 $0xffff, v28, v28;
	v8, _, _ =	vpop (xrf1)  }
0x27d: {  	v3 =	vmov v12;
	v37 =	vld [tilespmem:s16+$0x20];
	(xrf1) =	vsort.dscd.msk.f32 $0xffff, v1, v1;
	v1 =	vsub.f32 v43, v0;
	v44 =	vsub.f32 v5, v58;
	v5, _, _ =	vpop (xrf1)  }
0x27e: {  	v17 =	vmov v10;
	v40 =	vld [tilespmem:s16+$0xFFFFFF00];
	v51 =	vsub.f32 v7, v0;
	v61 =	vsub.f32 v53, v0;
	(xrf1) =	vsort.dscd.msk.f32 $0xffff, v2, v2;
	v59, _, _ =	vpop (xrf1)  }
0x27f: {  	s15 =	simm.s32 $0x8;
	v43 =	vld [tilespmem:s16+$0xB0];
	s16 =	simm.s32 $0x8700;
	v52 =	vsub.f32 v24, v0;
	v0 =	vmov v4;
	(xrf1) =	vsort.ascd.msk.f32 $0xffff, v36, v36;
	v8 =	vsel vm0, v59, v8;
	v63, _, _ =	vpop (xrf1)  }
.LBB2_8:
0x280: {  	v9 =	vld [tilespmem:$0x1FD30];
	_ =	sdelay $0x4  }
0x281: {  	v10 =	vmov v9;
	v9 =	vmov v38  }
0x282: {  	[tilespmem:$0x1FD30] =	vst v9;
	v9 =	vld [tilespmem:$0x1FCF0];
	_ =	sdelay $0x1  }
0x283: {  	v7, _, _ =	vpop (xrf1);
	(xrf1) =	vsort.ascd.msk.f32 $0xffff, v4, v0;
	v49 =	vmov v22;
	v59 =	vmov v57  }
0x284: {  	v22 =	vld [tilespmem:s16+$0xFFFFFF30];
	v11 =	vmovc v26;
	v54 =	vmax.f32 v62, v1;
	v0 =	vmax.f32 v45, v51;
	v1 =	vmovc v30;
	v30 =	vmov v40  }
0x285: {  	v51 =	vmov v15;
	v15 =	vmov v34;
	v45 =	vld [tilespmem:s16+$0x90];
	v34, _, _ =	vpop (xrf1);
	v55 =	vmax.f32 v55, v52;
	(xrf1) =	vsort.dscd.msk.f32 $0xffff, v30, v40  }
0x286: {  	v62 =	vsub.f32 v14, v58;
	v58 =	vld [tilespmem:s16+$0x30];
	v40, _, _ =	vpop (xrf1);
	(xrf1) =	vsort.dscd.msk.f32 $0xffff, v29, v29;
	v57 =	vmov v9;
	v9 =	vmov v25  }
0x287: {  	v52 =	vmov v3;
	v3 =	vmov v33;
	v33, _, _ =	vpop (xrf1);
	(xrf1) =	vsort.dscd.msk.f32 $0xffff, v37, v37;
	[tilespmem:$0x1FCF0] =	vst v9;
	v9 =	vld [tilespmem:$0x1FCE0]  }
0x288: {  	v14 =	vimm.s32 $0x8;
	v38, _, _ =	vpop (xrf1);
	(xrf1) =	vsort.ascd.msk.f32 $0xffff, v43, v43;
	[tilespmem:$0x1FCE0] =	vst v11;
	v11 =	vld [tilespmem:$0x1FCD0]  }
0x289: {  	v18 =	vperm.xlane v33, v14;
	v33, _, _ =	vpop (xrf1);
	(xrf1) =	vsort.ascd.msk.f32 $0xffff, v8, v8  }
0x28a: {  	v13 =	vmov v60;
	v60 =	vld [tilespmem:s16+$0xFFFFFFA0];
	v8 =	vmax.f32 v46, v61;
	(xrf1) =	vsort.ascd.msk.f32 $0xffff, v45, v45  }
0x28b: {  	v46, _, _ =	vpop (xrf1);
	v33 =	vsel vm0, v33, v34;
	v25 =	vmov v43;
	v43 =	vperm.xlane v63, v14;
	(xrf1) =	vsort.ascd.msk.f32 $0xffff, v22, v22  }
0x28c: {  	v5 =	vsel vm0, v5, v40;
	v63, _, _ =	vpop (xrf1);
	(xrf1) =	vsort.ascd.msk.f32 $0xffff, v33, v33  }
0x28d: {  	v12 =	vld [tilespmem:$0x1FD00];
	v46 =	vsel vm0, v46, v63;
	v63, _, _ =	vpop (xrf1);
	(xrf1) =	vsort.ascd.msk.f32 $0xffff, v58, v58;
	v24 =	vsub.f32 v11, v43;
	v11 =	vmov v19  }
0x28e: {  	v7 =	vsel vm0, v7, v56;
	v56, _, _ =	vpop (xrf1);
	(xrf1) =	vsort.ascd.msk.f32 $0xffff, v5, v5;
	[tilespmem:$0x1FCD0] =	vst v11;
	v11 =	vld [tilespmem:$0x1FCB0]  }
0x28f: {  	v5, _, _ =	vpop (xrf1);
	(xrf1) =	vsort.dscd.msk.f32 $0xffff, v60, v60  }
0x290: {  	v19 =	vmov v28;
	v28, _, _ =	vpop (xrf1);
	(xrf1) =	vsort.dscd.msk.f32 $0xffff, v46, v46;
	v46 =	vsel vm0, v38, v63;
	v63 =	vmov v6;
	v6 =	vld [tilespmem:$0x1FCC0]  }
0x291: {  	v34 =	vld [tilespmem:s16+$0xFFFFFF20];
	v35 =	vsub.f32 v35, v18  }
0x292: {  	v47 =	vmax.f32 v0, v47;
	v12 =	vmov v12  }
0x293: {  	v61 =	vld [tilespmem:s16+$0xFFFFFFB0];
	v35 =	vmax.f32 v47, v35;
	[tilespmem:$0x1FCB0] =	vst v12;
	v12 =	vsel vm0, v28, v56;
	v47 =	vsub.f32 v11, v43;
	v11, _, _ =	vpop (xrf1)  }
0x294: {  	v56, _, _ =	vpop (xrf1);
	(xrf1) =	vsort.ascd.msk.f32 $0xffff, v12, v12;
	v12 =	vld [tilespmem:$0x1FD10]  }
0x295: {  	v44 =	vmax.f32 v55, v44;
	v57 =	vsub.f32 v57, v43;
	v55 =	vsub.f32 v6, v18  }
0x296: {  	v42 =	vsub.f32 v42, v18;
	v39 =	vsub.f32 v39, v43;
	[tilespmem:$0x1FD00] =	vst v63;
	(xrf1) =	vsort.dscd.msk.f32 $0xffff, v34, v34;
	v63, _, _ =	vpop (xrf1)  }
0x297: {  	v38 =	vld [tilespmem:s16+$0xFFFFFF80];
	v43, _, _ =	vpop (xrf1);
	(xrf1) =	vsort.ascd.msk.f32 $0xffff, v7, v7;
	v7 =	vmax.f32 v8, v48;
	v8 =	vmax.f32 v44, v55  }
0x298: {  	v33 =	vld [tilespmem:s16+$0xFFFFFF90];
	v9 =	vsub.f32 v9, v18;
	(xrf1) =	vsort.ascd.msk.f32 $0xffff, v61, v61;
	v48, _, _ =	vpop (xrf1);
	v55 =	vmax.f32 v8, v57  }
0x299: {  	v57 =	vmov v16;
	v18 =	vmov v12;
	v12 =	vsel vm0, v48, v63;
	v63, _, _ =	vpop (xrf1);
	(xrf1) =	vsort.ascd.msk.f32 $0xffff, v46, v46  }
0x29a: {  	v7 =	vmax.f32 v7, v42;
	[tilespmem:$0x1FCC0] =	vst v18;
	v18 =	vsel vm0, v43, v56;
	(xrf1) =	vsort.dscd.msk.f32 $0xffff, v12, v12;
	v8, _, _ =	vpop (xrf1)  }
0x29b: {  	v53 =	vld [tilespmem:s16+$0x80];
	v46 =	vmax.f32 v7, v47;
	v7 =	vsel vm0, v11, v8;
	(xrf1) =	vsort.dscd.msk.f32 $0xffff, v18, v18;
	v8, _, _ =	vpop (xrf1)  }
0x29c: {  	[tilespmem:$0x1FD10] =	vst v57;
	(xrf1) =	vsort.dscd.msk.f32 $0xffff, v38, v38;
	v57, _, _ =	vpop (xrf1)  }
0x29d: {  	v0 =	vld [tilespmem:s16+$0x10];
	v11 =	vsel vm0, v63, v41;
	v56, _, _ =	vpop (xrf1);
	(xrf1) =	vsort.ascd.msk.f32 $0xffff, v33, v33  }
0x29e: {  	(xrf1) =	vsort.ascd.msk.f32 $0xffff, v11, v11;
	v11 =	vld [tilespmem:$0x1FD20]  }
0x29f: {  	v50 =	vmov v36;
	v26 =	vmov v29  }
0x2a0: {  	v28 =	vmovc v53;
	v6 =	vmovc v45;
	v45 =	vmax.f32 v35, v39;
	v39 =	vmov v17;
	v17 =	vmov v2  }
0x2a1: {  	v35 =	vmovc v27;
	v27 =	vmovc v37;
	v16 =	vmov v58;
	v42 =	vmov v20;
	v58 =	vperm.xlane v8, v14  }
0x2a2: {  	s15 =	sadd.s32 $0x4, s15;
	v2 =	vld [tilespmem:s16+$0xA0];
	v20 =	vmovc v4;
	v4 =	vmovc v0;
	v8 =	vmax.f32 v54, v62;
	v12 =	vmov v31;
	v31 =	vmov v60  }
0x2a3: {  	v36 =	vld [tilespmem:s16+$0xFFFFFF10];
	p0 =	slt.u32 s15, $0xFC;
	v60 =	vmov v49;
	v8 =	vmax.f32 v8, v9;
	v47 =	vsub.f32 v11, v58;
	v11, _, _ =	vpop (xrf1)  }
.Ltmp3:
0x2a4: {  	[tilespmem:$0x1FD20] =	vst v12;
	v62 =	vmax.f32 v8, v24;
	v41, _, _ =	vpop (xrf1);
	(xrf1) =	vsort.ascd.msk.f32 $0xffff, v7, v7;
	v7 =	vperm.xlane v11, v14;
	(pc) =	sbr.rel @p0 .LBB2_8-.Ltmp3, $4  }
0x2a5: {  	v40 =	vld [tilespmem:s16+$0xFFFFFF00];
	v44 =	vsub.f32 v21, v58;
	v14 =	vmov v10;
	v10 =	vsel vm0, v5, v59;
	(xrf1) =	vsort.dscd.msk.f32 $0xffff, v28, v53;
	v9, _, _ =	vpop (xrf1)  }
0x2a6: {  	v29 =	vld [tilespmem:s16+$0x0];
	v21 =	vmov v32;
	v48 =	vsub.f32 v52, v58;
	v5, _, _ =	vpop (xrf1);
	(xrf1) =	vsort.dscd.msk.f32 $0xffff, v10, v10;
	v1 =	vsub.f32 v1, v7  }
0x2a7: {  	v37 =	vld [tilespmem:s16+$0x20];
	v32 =	vmov v61;
	v51 =	vsub.f32 v51, v7;
	v61 =	vsub.f32 v23, v7;
	(xrf1) =	vsort.dscd.msk.f32 $0xffff, v2, v2;
	v8, _, _ =	vpop (xrf1)  }
0x2a8: {  	v43 =	vld [tilespmem:s16+$0xB0];
	s16 =	sadd.s32 $0x200, s16;
	v23 =	vmov v50;
	v52 =	vsub.f32 v13, v7;
	(xrf1) =	vsort.ascd.msk.f32 $0xffff, v36, v36;
	v8 =	vsel vm0, v8, v9;
	v63, _, _ =	vpop (xrf1)  }
0x2a9: {  	v7, _, _ =	vpop (xrf1);
	(xrf1) =	vsort.ascd.msk.f32 $0xffff, v4, v0  }
0x2aa: {  	(xrf1) =	vsort.dscd.msk.f32 $0xffff, v40, v40;
	v13, _, _ =	vpop (xrf1)  }
0x2ab: {  	v9, _, _ =	vpop (xrf1);
	(xrf1) =	vsort.dscd.msk.f32 $0xffff, v29, v29  }
0x2ac: {  	v11, _, _ =	vpop (xrf1)  }
0x2ad: {  	v18, _, _ =	vpop (xrf1)  }
0x2ae: {  	(xrf1) =	vsort.dscd.msk.f32 $0xffff, v37, v37;
	v24, _, _ =	vpop (xrf1)  }
0x2af: {  	(xrf1) =	vsort.ascd.msk.f32 $0xffff, v43, v43;
	v49, _, _ =	vpop (xrf1)  }
0x2b0: {  	v50, _, _ =	vpop (xrf1)  }
0x2b1: {  	v53, _, _ =	vpop (xrf1)  }
0x2b2: {  	v0 =	vsel vm0, v24, v13;
	v54, _, _ =	vpop (xrf1)  }
0x2b3: {  	v59, _, _ =	vpop (xrf1)  }
0x2b4: {  	(xrf1) =	vsort.ascd.msk.f32 $0xffff, v8, v8;
	v24, _, _ =	vpop (xrf1)  }
0x2b5: {  	v5 =	vsel vm0, v5, v9;
	(xrf1) =	vsort.ascd.msk.f32 $0xffff, v0, v0;
	v0, _, _ =	vpop (xrf1)  }
0x2b6: {  	v50 =	vsel vm0, v49, v50;
	(xrf1) =	vsort.ascd.msk.f32 $0xffff, v5, v5;
	v12, _, _ =	vpop (xrf1)  }
0x2b7: {  	(xrf1) =	vsort.dscd.msk.f32 $0xffff, v50, v50;
	v8 =	vsel vm0, v24, v54;
	v13, _, _ =	vpop (xrf1)  }
0x2b8: {  	v7 =	vsel vm0, v7, v56;
	(xrf1) =	vsort.ascd.msk.f32 $0xffff, v8, v8;
	v24, _, _ =	vpop (xrf1)  }
0x2b9: {  	v18 =	vsel vm0, v18, v53;
	(xrf1) =	vsort.ascd.msk.f32 $0xffff, v7, v7;
	v49, _, _ =	vpop (xrf1)  }
0x2ba: {  	(xrf1) =	vsort.ascd.msk.f32 $0xffff, v18, v18;
	v7 =	vsel vm0, v49, v13  }
0x2bb: {  	v5 =	vsel vm0, v24, v12;
	(xrf1) =	vsort.dscd.msk.f32 $0xffff, v7, v7  }
0x2bc: {  	v50, _, _ =	vpop (xrf1);
	(xrf1) =	vsort.dscd.msk.f32 $0xffff, v5, v5  }
0x2bd: {  	v53, _, _ =	vpop (xrf1);
	v7 =	vsel vm0, v50, v41  }
0x2be: {  	v0 =	vsel vm0, v0, v53;
	(xrf1) =	vsort.ascd.msk.f32 $0xffff, v7, v7  }
0x2bf: {  	v54 =	vsel vm0, v59, v57;
	(xrf1) =	vsort.ascd.msk.f32 $0xffff, v0, v0  }
0x2c0: {  	(xrf1) =	vsort.dscd.msk.f32 $0xffff, v54, v54;
	_ =	sdelay $0x1  }
0x2c1: {  	v10 =	vld [tilespmem:$0x1FCE0];
	v0, _, _ =	vpop (xrf1)  }
0x2c2: {  	v56 =	vmax.f32 v45, v51;
	v12 =	vld [tilespmem:$0x1FCD0];
	v5, _, _ =	vpop (xrf1)  }
0x2c3: {  	v9 =	vmax.f32 v56, v47;
	v56 =	vld [tilespmem:$0x1FCC0];
	v57 =	vmax.f32 v55, v52;
	v53 =	vimm.s32 $0x8;
	v8, _, _ =	vpop (xrf1)  }
0x2c4: {  	v7 =	vperm.xlane v11, v53;
	v11 =	vmax.f32 v57, v44;
	v57 =	vld [tilespmem:$0x1FCF0];
	v59, _, _ =	vpop (xrf1)  }
0x2c5: {  	v1 =	vmax.f32 v62, v1;
	v24 =	vsub.f32 v14, v58;
	v62 =	vperm.xlane v63, v53;
	v54 =	vld [tilespmem:$0x1FCB0];
	v45, _, _ =	vpop (xrf1)  }
0x2c6: {  	v46 =	vmax.f32 v46, v61;
	v14 =	vsub.f32 v10, v7;
	v42 =	vsub.f32 v42, v7;
	v63, _, _ =	vpop (xrf1)  }
0x2c7: {  	v61 =	vmax.f32 v46, v48;
	v35 =	vsub.f32 v35, v7;
	v50 =	vsub.f32 v12, v62;
	v47, _, _ =	vpop (xrf1)  }
0x2c8: {  	v1 =	vmax.f32 v1, v24;
	v39 =	vsub.f32 v39, v62;
	v7 =	vsub.f32 v56, v7;
	v55, _, _ =	vpop (xrf1)  }
0x2c9: {  	v9 =	vmax.f32 v9, v35;
	v58 =	vsub.f32 v57, v62;
	v8 =	vsel vm0, v59, v8;
	v59, _, _ =	vpop (xrf1)  }
0x2ca: {  	v35 =	vsub.f32 v54, v62;
	(xrf1) =	vsort.ascd.msk.f32 $0xffff, v8, v8;
	v62 =	vsel vm0, v59, v63  }
0x2cb: {  	v0 =	vperm.xlane v0, v53;
	v7 =	vmax.f32 v11, v7;
	v63, _, _ =	vpop (xrf1);
	(xrf1) =	vsort.ascd.msk.f32 $0xffff, v62, v62  }
0x2cc: {  	v46 =	vmax.f32 v61, v42;
	v5 =	vperm.xlane v5, v53;
	v1 =	vmax.f32 v1, v14;
	v48, _, _ =	vpop (xrf1)  }
0x2cd: {  	v24 =	vld [tilespmem:$0x1FD00];
	v9 =	vmax.f32 v9, v39;
	v1 =	vmax.f32 v1, v50;
	v57 =	vsub.f32 v3, v0;
	v49, _, _ =	vpop (xrf1)  }
0x2ce: {  	v13 =	vsub.f32 v15, v5;
	v56 =	vsub.f32 v23, v5;
	v8 =	vsel vm0, v49, v48  }
0x2cf: {  	v61 =	vperm.xlane v45, v53;
	v51 =	vsel vm0, v55, v63;
	(xrf1) =	vsort.ascd.msk.f32 $0xffff, v8, v8  }
0x2d0: {  	v52 =	vld [tilespmem:$0x1FD20];
	v7 =	vmax.f32 v7, v58;
	v54 =	vsub.f32 v21, v0;
	(xrf1) =	vsort.ascd.msk.f32 $0xffff, v51, v51  }
0x2d1: {  	v58 =	vperm.xlane v47, v53;
	v21 =	vsub.f32 v19, v61;
	v23 =	vsub.f32 v17, v61  }
0x2d2: {  	v9 =	vmax.f32 v9, v13;
	v13 =	vsub.f32 v24, v61;
	v59 =	vld [tilespmem:$0x1FD30];
	v55 =	vsub.f32 v30, v5  }
0x2d3: {  	v11 =	vmax.f32 v46, v35;
	v5 =	vsub.f32 v60, v5;
	v63 =	vsub.f32 v26, v58;
	v26 =	vld [tilespmem:$0x1FD10]  }
0x2d4: {  	v20 =	vsub.f32 v20, v58;
	v60 =	vmax.f32 v11, v56;
	v62 =	vsub.f32 v27, v58  }
0x2d5: {  	v27 =	vsub.f32 v25, v61;
	v5 =	vmax.f32 v7, v5;
	v8 =	vsub.f32 v52, v0  }
0x2d6: {  	v1 =	vmax.f32 v1, v55;
	v7 =	vmax.f32 v60, v57;
	v5 =	vmax.f32 v5, v54  }
0x2d7: {  	v7 =	vmax.f32 v7, v20;
	v0 =	vsub.f32 v59, v0;
	v8 =	vmax.f32 v9, v8  }
0x2d8: {  	v7 =	vmax.f32 v7, v13;
	v10 =	vsub.f32 v26, v58;
	v8 =	vmax.f32 v8, v62;
	v30, _, _ =	vpop (xrf1)  }
0x2d9: {  	v0 =	vmax.f32 v1, v0;
	v62 =	vimm.f32 $0.0e+00;
	v35 =	vperm.xlane v30, v53;
	v39, _, _ =	vpop (xrf1)  }
0x2da: {  	v8 =	vmax.f32 v8, v23;
	v5 =	vmax.f32 v5, v10;
	v41 =	vperm.xlane v39, v53  }
0x2db: {  	v0 =	vmax.f32 v0, v63;
	v42 =	vsub.f32 v31, v35;
	v44 =	vsub.f32 v32, v35  }
0x2dc: {  	v5 =	vmax.f32 v5, v27;
	v50 =	vsub.f32 v33, v35;
	v45 =	vsub.f32 v40, v41  }
0x2dd: {  	v0 =	vmax.f32 v0, v21;
	v46 =	vsub.f32 v34, v41;
	v47, _, _ =	vpop (xrf1);
	v9 =	vsub.f32 v22, v41  }
0x2de: {  	v52 =	vsub.f32 v38, v35;
	v48 =	vsub.f32 v36, v41;
	v49, _, _ =	vpop (xrf1);
	v0 =	vmax.f32 v0, v45  }
0x2df: {  	v51 =	vperm.xlane v49, v53;
	v8 =	vmax.f32 v8, v46;
	v5 =	vmax.f32 v5, v9  }
0x2e0: {  	v3 =	vmax.f32 v7, v48;
	v53 =	vperm.xlane v47, v53;
	v1 =	vmax.f32 v8, v42  }
0x2e1: {  	v5 =	vmax.f32 v5, v44;
	v54 =	vsub.f32 v37, v51;
	v55 =	vsub.f32 v29, v51  }
0x2e2: {  	v0 =	vmax.f32 v0, v52;
	v56 =	vsub.f32 v4, v51;
	v57 =	vsub.f32 v28, v53  }
0x2e3: {  	v3 =	vmax.f32 v3, v50;
	v2 =	vsub.f32 v2, v53;
	v6 =	vsub.f32 v6, v53  }
0x2e4: {  	v58 =	vsub.f32 v16, v51;
	v60 =	vsub.f32 v43, v53;
	v0 =	vmax.f32 v0, v55  }
0x2e5: {  	v1 =	vmax.f32 v1, v54;
	v59 =	vmax.f32 v3, v56;
	v0 =	vmax.f32 v0, v57  }
0x2e6: {  	v1 =	vmax.f32 v1, v2;
	v2 =	vmax.f32 v59, v6;
	vm1 =	vge.f32 v0, $0.0e+00  }
0x2e7: {  	v61 =	vmax.f32 v5, v58;
	v63 =	vsel vm1, $0x3F800000, v62;
	vm1 =	vge.f32 v2, $0.0e+00  }
0x2e8: {  	v0 =	vmax.f32 v61, v60;
	[tilespmem:$0x10000] =	vst v63;
	v2 =	vsel vm1, $0x3F800000, v62;
	vm1 =	vge.f32 v1, $0.0e+00  }
0x2e9: {  	s14 =	sadd.s32 $0x1, s14;
	[tilespmem:$0x10010] =	vst v2;
	v1 =	vsel vm1, $0x3F800000, v62;
	vm1 =	vge.f32 v0, $0.0e+00  }
0x2ea: {  	p0 =	sne.s32 s14, s8;
	[tilespmem:$0x10020] =	vst v1;
	v0 =	vsel vm1, $0x3F800000, v62  }
.Ltmp4:
0x2eb: {  	[tilespmem:$0x10030] =	vst v0;
	(pc) =	sbr.rel @p0 .LBB2_1-.Ltmp4, $4  }
0x2ec: {  	[hbm4b:s7+s2] =	stream.linear.scatter [tilespmem:s12], [sflag:$0x3], $0x80, $0x38;
	[tilespmem:$0x10080] =	vst v63  }
0x2ed: {  	_ =	swait.ge [sflag:s13], $0x80  }
0x2ee: {  	[sflag:s13] =	ssyncset.done $0x0  }
0x2ef: {  	[sflag:s13] =	ssyncadd.s32 $0xFFFFFF80  }
0x2f0: {  	_ =	sfence.sel $0x180000  }
0x2f1: {  	[bflag:$0x0] =	sbarrier.arrive $0xFFFF  }
0x2f2: {  	p0 =	sne.s32 s1, $0x0;
	_ =	strace $0x90000047  }
0x2f3: {  	s0 =	sadd.s32 @!p0 $0x100000, s0;
	[bflag:$0x2] =	sbarrier.arrive $0xFFFF  }
0x2f4: {  	[sflag:s0] =	ssyncadd.tile.s32 @!p0 $0x1;
	_ =	shalt  }
.Lfunc_end2:
_tile_overlayer_lowered:
.L_overlay_start_2:
0x2f5: {  	(tag) =	ssettag $0x2  }
0x2f6: {  	s0 =	rddreg [dreg:$0x0];
	s2 =	stileid.u32  }
0x2f7: {  	s1 =	rddreg [dreg:$0x1];
	p0 =	sne.s32 s2, $0x0  }
0x2f8: {  	s3 =	rddreg [dreg:$0x2];
	[bflag:$0x3] =	sbarrier.arrive $0xFFFF;
	s2 =	simm.s32 @!p0 $0x1C03  }
0x2f9: {  	[timem:s3], [sflag:s2] =	dma.local @!p0 [hbm:s0], s1  }
0x2fa: {  	s0 =	simm.s32 @!p0 $0x3  }
0x2fb: {  	_ =	swait.ge @!p0 [sflag:s0], s1  }
0x2fc: {  	s1 =	ssub.s32 @!p0 $0x0, s1;
	[sflag:s0] =	ssyncset.done @!p0 $0x0  }
0x2fd: {  	[sflag:s0] =	ssyncadd.s32 @!p0 s1  }
0x2fe: {  	[bflag:$0x3] =	sbarrier.arrive $0xFFFF  }
0x2ff: {  	_ =	shalt  }

</sc_bundles>
